<compile_context>
chip_gen: v7x
topology: tpu7x:2x2x1
jax: 0.10.2.dev20260603
libtpu: 0.0.44.dev20260713+nightly
codegen_flags: <defaults>
</compile_context>

<pallas_src>
import jax
import jax.numpy as jnp
from jax import lax
from jax.experimental import pallas as pl
from jax.experimental.pallas import tpu as pltpu
from jax.experimental.pallas import tpu_sc as plsc

DIMH = 128
BATCH = 512
NC, NS, L = 2, 16, 16
NW = NC * NS
RPW = BATCH // NW
NREL = 3
NOUT = 8

_SLOT_SRC = [
    (0, 0), (0, 1),
    (1, 0), (1, 1), (1, 2),
    (2, 0), (2, 2),
    (3, 1), (3, 2),
    (4, 0), (4, 1),
    (5, 0), (5, 2),
    (2, 1), (3, 0), (5, 1),
]
_NA = 5
_NB = 8


def _vsqrt(x):
    xc = jnp.maximum(x, jnp.float32(1e-30))
    i = lax.bitcast_convert_type(xc, jnp.int32)
    i = jnp.int32(0x5F3759DF) - jnp.right_shift(i, jnp.int32(1))
    g = lax.bitcast_convert_type(i, jnp.float32)
    for _ in range(3):
        g = g * (jnp.float32(1.5) - jnp.float32(0.5) * xc * g * g)
    return x * g


def _relu(x):
    return jnp.maximum(x, jnp.float32(0.0))


def _sc_body(idx_hbm, cls_hbm, rel_hbm, out_hbm, *refs):
    idx_v, bufa, bufb, bufr, partials, sema, semb = refs

    wid = lax.axis_index("s") * NC + lax.axis_index("c")

    nidx = len(_SLOT_SRC) * RPW
    pltpu.sync_copy(idx_hbm.at[pl.ds(wid * nidx, nidx)], idx_v)

    iota = lax.iota(jnp.int32, L)

    c1 = pltpu.async_copy(cls_hbm.at[idx_v.at[pl.ds(0, _NA * RPW)]], bufa,
                          sema)
    c2 = pltpu.async_copy(cls_hbm.at[idx_v.at[pl.ds(_NA * RPW, _NB * RPW)]],
                          bufb, semb)
    c3 = pltpu.async_copy(
        rel_hbm.at[idx_v.at[pl.ds((_NA + _NB) * RPW, NREL * RPW)]], bufr, semb)

    zero = jnp.zeros((L,), jnp.float32)
    half = jnp.float32(0.5)

    row_a = [iota + jnp.int32(k * RPW) for k in range(_NA)]
    row_b = [iota + jnp.int32(k * RPW) for k in range(_NB)]
    row_r = [iota + jnp.int32(k * RPW) for k in range(NREL)]

    def alo(col, dsp):
        return plsc.load_gather(bufa, [row_a[col], dsp])

    def ahi(col, dsph):
        return jnp.abs(plsc.load_gather(bufa, [row_a[col], dsph]))

    def blo(col, dsp):
        return plsc.load_gather(bufb, [row_b[col], dsp])

    def bhi(col, dsph):
        return jnp.abs(plsc.load_gather(bufb, [row_b[col], dsph]))

    def rlo(k, dsp):
        return plsc.load_gather(bufr, [row_r[k], dsp])

    def rot(dd):
        dsp = jnp.bitwise_and(iota + dd, jnp.int32(DIMH - 1))
        return dsp, dsp + jnp.int32(DIMH)

    c1.wait()

    @plsc.parallel_loop(0, DIMH, step=1, unroll=1, carry=(zero, zero, zero))
    def loop_a(dd, carry):
        s1, ar, br = carry
        dsp, dsph = rot(dd)
        t = _relu(jnp.abs(alo(0, dsp) - alo(1, dsp))
                  + ahi(0, dsph) - ahi(1, dsph))
        s1 = s1 + t * t
        c1v = alo(2, dsp)
        c2v = ahi(2, dsph)
        d1 = alo(3, dsp)
        d2 = ahi(3, dsph)
        e1 = alo(4, dsp)
        e2 = ahi(4, dsph)
        st = jnp.maximum(c1v - c2v, d1 - d2)
        en = jnp.minimum(c1v + c2v, d1 + d2)
        diff = st - en
        ta = _relu(jnp.abs(half * (st + en) - e1) + half * jnp.abs(diff) - e2)
        ar = ar + ta * ta
        tb = _relu(diff)
        br = br + tb * tb
        return s1, ar, br

    s134, a2, b2 = loop_a

    c2.wait()
    c3.wait()

    @plsc.parallel_loop(0, DIMH, step=1, unroll=1, carry=(zero, zero, zero))
    def loop_b(dd, carry):
        s34, djr, negr = carry
        dsp, dsph = rot(dd)
        t = _relu(jnp.abs(blo(0, dsp) + rlo(0, dsp) - blo(1, dsp))
                  + bhi(0, dsph) - bhi(1, dsph))
        s34 = s34 + t * t
        t = _relu(jnp.abs(blo(2, dsp) - rlo(1, dsp) - blo(3, dsp))
                  - bhi(2, dsph) - bhi(3, dsph))
        s34 = s34 + t * t
        t = _relu(jnp.abs(blo(4, dsp) - blo(5, dsp))
                  - bhi(4, dsph) - bhi(5, dsph))
        djr = djr + t * t
        t = _relu(jnp.abs(blo(6, dsp) + rlo(2, dsp) - blo(7, dsp))
                  - bhi(6, dsph) - bhi(7, dsph))
        negr = negr + t * t
        return s34, djr, negr

    s34, djr, negr = loop_b
    s134 = s134 + s34

    two = jnp.float32(2.0)
    djv = _relu(two - _vsqrt(djr))
    negv = two - _vsqrt(negr)

    partials[0, :] = s134
    partials[1, :] = a2
    partials[2, :] = _vsqrt(a2)
    partials[3, :] = b2
    partials[4, :] = _vsqrt(b2)
    partials[5, :] = djv * djv
    partials[6, :] = negv * negv
    partials[7, :] = zero
    pltpu.sync_copy(partials, out_hbm.at[wid])


def _finish_body(x_ref, o_ref):
    x = x_ref[...]
    inv = jnp.float32(1.0 / BATCH)
    s134 = jnp.sum(x[:, 0, :])
    sa2 = jnp.sum(x[:, 1, :])
    sa = jnp.sum(x[:, 2, :])
    sb2 = jnp.sum(x[:, 3, :])
    sb = jnp.sum(x[:, 4, :])
    sdj = jnp.sum(x[:, 5, :])
    sneg = jnp.sum(x[:, 6, :])
    loss2 = inv * sa2 + inv * sb2 + jnp.float32(2.0) * (inv * sa) * (inv * sb)
    total = inv * s134 + loss2 + inv * sdj + inv * sneg
    o_ref[...] = jnp.broadcast_to(total, (1, 1))


@jax.jit
def _run(idx3, classEmb, relEmb):
    mesh = plsc.VectorSubcoreMesh(core_axis_name="c", subcore_axis_name="s")
    scratch = [
        pltpu.VMEM((len(_SLOT_SRC) * RPW,), jnp.int32),
        pltpu.VMEM((_NA * RPW, 2 * DIMH), jnp.float32),
        pltpu.VMEM((_NB * RPW, 2 * DIMH), jnp.float32),
        pltpu.VMEM((NREL * RPW, DIMH), jnp.float32),
        pltpu.VMEM((NOUT, L), jnp.float32),
        pltpu.SemaphoreType.DMA,
        pltpu.SemaphoreType.DMA,
    ]
    sc_call = pl.kernel(
        _sc_body,
        out_type=jax.ShapeDtypeStruct((NW, NOUT, L), jnp.float32),
        mesh=mesh,
        scratch_types=scratch,
        compiler_params=pltpu.CompilerParams(needs_layout_passes=False),
    )
    partials = sc_call(idx3, classEmb, relEmb)
    out = pl.pallas_call(
        _finish_body,
        out_shape=jax.ShapeDtypeStruct((1, 1), jnp.float32),
    )(partials)
    return jnp.reshape(out, ())


def kernel(nf1, nf2, nf3, nf4, disjoint, nf3_neg, classEmb, relEmb):
    b = BATCH
    i32 = jnp.int32
    cols = [
        nf1[:b, 0], nf1[:b, 1],
        nf2[:b, 0], nf2[:b, 1], nf2[:b, 2],
        nf3[:b, 0], nf3[:b, 2],
        nf4[:b, 1], nf4[:b, 2],
        disjoint[:b, 0], disjoint[:b, 1],
        nf3_neg[:b, 0], nf3_neg[:b, 2],
        nf3[:b, 1], nf4[:b, 0], nf3_neg[:b, 1],
    ]
    idx_all = jnp.stack([c.astype(i32) for c in cols], axis=0)
    idx3 = idx_all.reshape(16, NW, RPW).transpose(1, 0, 2).reshape(NW * 256)
    return _run(idx3, classEmb, relEmb)

# --- scband reference (transcript-rebuilt; emitter-appended) ---
"""Pipeline reference for scband-elbox-model-11519102288705 (READ-ONLY COPY).

The authoritative reference and input builder live on the scoring server;
editing this copy changes nothing except your own understanding.
"""

import jax, jax.numpy as jnp
import numpy as np

DIM = 128
MARGIN = 0.0
DISJOINT_DIST = 2.0
BATCH = 512
N_CLASS = 1000
N_REL = 1000


def _total_loss(classEmb, relEmb, nf1, nf2, nf3, nf4, disjoint, nf3_neg):
    relu = jax.nn.relu
    d = DIM
    m = MARGIN

    def nf1Loss(inp):
        c = classEmb[inp[:, 0]]
        dd = classEmb[inp[:, 1]]
        c1 = c[:, :d]
        d1 = dd[:, :d]
        cr = jnp.abs(c[:, d:])
        dr = jnp.abs(dd[:, d:])
        euc = jnp.abs(c1 - d1)
        return jnp.linalg.norm(relu(euc + cr - dr - m), axis=1).reshape(-1, 1)

    def nf2Loss(inp):
        c = classEmb[inp[:, 0]]
        dd = classEmb[inp[:, 1]]
        e = classEmb[inp[:, 2]]
        c1 = c[:, :d]
        d1 = dd[:, :d]
        e1 = e[:, :d]
        c2 = jnp.abs(c[:, d:])
        d2 = jnp.abs(dd[:, d:])
        e2 = jnp.abs(e[:, d:])
        startAll = jnp.maximum(c1 - c2, d1 - d2)
        endAll = jnp.minimum(c1 + c2, d1 + d2)
        newR = jnp.abs(startAll - endAll) / 2
        cen1 = (startAll + endAll) / 2
        euc = jnp.abs(cen1 - e1)
        # NOTE: faithful to torch: [B,1] + [B] broadcasts to [B,B]
        dst = jnp.linalg.norm(relu(euc + newR - e2 - m), axis=1).reshape(-1, 1) + jnp.linalg.norm(relu(startAll - endAll), axis=1)
        return dst

    def disJointLoss(inp):
        c = classEmb[inp[:, 0]]
        dd = classEmb[inp[:, 1]]
        c1 = c[:, :d]
        d1 = dd[:, :d]
        cr = jnp.abs(c[:, d:])
        dr = jnp.abs(dd[:, d:])
        euc = jnp.abs(c1 - d1)
        return jnp.linalg.norm(relu(euc - cr - dr + m), axis=1).reshape(-1, 1)

    def nf3Loss(inp):
        c = classEmb[inp[:, 0]]
        r = relEmb[inp[:, 1]]
        dd = classEmb[inp[:, 2]]
        c_center = c[:, :d]
        c_offset = jnp.abs(c[:, d:])
        d_center = dd[:, :d]
        d_offset = jnp.abs(dd[:, d:])
        euc = jnp.abs(c_center + r - d_center)
        return jnp.linalg.norm(relu(euc + c_offset - d_offset - m), axis=1).reshape(-1, 1)

    def negLoss(inp):
        c = classEmb[inp[:, 0]]
        r = relEmb[inp[:, 1]]
        dd = classEmb[inp[:, 2]]
        c_center = c[:, :d]
        c_offset = jnp.abs(c[:, d:])
        d_center = dd[:, :d]
        d_offset = jnp.abs(dd[:, d:])
        euc = jnp.abs(c_center + r - d_center)
        return jnp.linalg.norm(relu(euc - c_offset - d_offset + m), axis=1).reshape(-1, 1)

    def nf4Loss(inp):
        c = classEmb[inp[:, 1]]
        r = relEmb[inp[:, 0]]
        dd = classEmb[inp[:, 2]]
        c_center = c[:, :d]
        c_offset = jnp.abs(c[:, d:])
        d_center = dd[:, :d]
        d_offset = jnp.abs(dd[:, d:])
        euc = jnp.abs(c_center - r - d_center)
        return jnp.linalg.norm(relu(euc - c_offset - d_offset - m), axis=1).reshape(-1, 1)

    b = BATCH
    # deterministic replacement for np.random.choice: take first `batch` rows
    loss1 = jnp.mean(jnp.square(nf1Loss(nf1[:b])))
    loss2 = jnp.mean(jnp.square(nf2Loss(nf2[:b])))
    loss3 = jnp.mean(jnp.square(nf3Loss(nf3[:b])))
    loss4 = jnp.mean(jnp.square(nf4Loss(nf4[:b])))
    dj = jnp.mean(jnp.square(relu(DISJOINT_DIST - disJointLoss(disjoint[:b]))))
    neg = jnp.mean(jnp.square(DISJOINT_DIST - negLoss(nf3_neg[:b])))
    return loss1 + loss2 + dj + loss3 + loss4 + neg


def setup_inputs(seed: int = 0):
    key = jax.random.key(seed)
    ks = jax.random.split(key, 8)
    nf1 = jax.random.randint(ks[0], (2048, 2), 0, N_CLASS)
    nf2 = jax.random.randint(ks[1], (2048, 3), 0, N_CLASS)
    nf3 = jax.random.randint(ks[2], (2048, 3), 0, N_CLASS)
    nf4 = jax.random.randint(ks[3], (2048, 3), 0, N_CLASS)
    disjoint = jax.random.randint(ks[4], (2048, 2), 0, N_CLASS)
    nf3_neg = jax.random.randint(ks[5], (2048, 3), 0, N_CLASS)
    ce = jax.random.uniform(ks[6], (N_CLASS, 2 * DIM), minval=-1.0, maxval=1.0, dtype=jnp.float32)
    ce = ce / jnp.linalg.norm(ce, axis=1, keepdims=True)
    re = jax.random.uniform(ks[7], (N_REL, DIM), minval=-1.0, maxval=1.0, dtype=jnp.float32)
    re = re / jnp.linalg.norm(re, axis=1, keepdims=True)
    return {"nf1": nf1, "nf2": nf2, "nf3": nf3, "nf4": nf4, "disjoint": disjoint, "nf3_neg": nf3_neg, "classEmb": ce, "relEmb": re}


def reference(nf1, nf2, nf3, nf4, disjoint, nf3_neg, classEmb, relEmb):
    return _total_loss(classEmb, relEmb, nf1, nf2, nf3, nf4, disjoint, nf3_neg)

if __name__ == "__main__":
    import jax
    _d = setup_inputs()
    print(jax.jit(kernel)(*tuple(_d.values())))

</pallas_src>

<mosaic_0001>
#map = affine_map<(d0, d1) -> (0)>
#map1 = affine_map<(d0, d1) -> (0, 0)>
#map2 = affine_map<(d0, d1) -> (0, 0, 0)>
module attributes {stable_mosaic.version = 14 : i64} {
  func.func @_sc_body(%arg0: i32, %arg1: i32, %arg2: memref<8192xi32, #tpu.memory_space<hbm>>, %arg3: memref<1000x256xf32, #tpu.memory_space<hbm>>, %arg4: memref<1000x128xf32, #tpu.memory_space<hbm>>, %arg5: memref<32x8x16xf32, #tpu.memory_space<hbm>>, %arg6: memref<256xi32, #tpu.memory_space<vmem>>, %arg7: memref<80x256xf32, #tpu.memory_space<vmem>>, %arg8: memref<128x256xf32, #tpu.memory_space<vmem>>, %arg9: memref<48x128xf32, #tpu.memory_space<vmem>>, %arg10: memref<8x16xf32, #tpu.memory_space<vmem>>, %arg11: memref<!tpu.dma_semaphore, #tpu.memory_space<semaphore_mem>>, %arg12: memref<!tpu.dma_semaphore, #tpu.memory_space<semaphore_mem>>) attributes {dimension_semantics = [#tpu.dimension_semantics<core_parallel>, #tpu.dimension_semantics<subcore_parallel>], iteration_bounds = array<i64: 2, 16>, scalar_prefetch = 0 : i64, scratch_operands = 7 : i64, tpu.core_type = #tpu.core_type<sc_vector_subcore>, window_params = [{transform_indices = #map}, {transform_indices = #map1}, {transform_indices = #map1}, {transform_indices = #map2}]} {
    %mul3A = arith.constant 2 : i32
    %mul3A_0 = arith.muli %arg1, %mul3A : i32
    %add3A = arith.addi %mul3A_0, %arg0 : i32
    %mul3A_1 = arith.constant 256 : i32
    %mul3A_2 = arith.muli %add3A, %mul3A_1 : i32
    "tpu.region"() ({
      %run_scoped3A = tpu.sem_alloc : memref<!tpu.dma_semaphore, #tpu.memory_space<semaphore_mem>>
      %dma_start3A_283 = tpu.memref_slice %arg2[%mul3A_2] : memref<8192xi32, #tpu.memory_space<hbm>> -> memref<256xi32, #tpu.memory_space<hbm>>
      %dma_start3A_284 = tpu.memref_slice %arg2[%mul3A_2] : memref<8192xi32, #tpu.memory_space<hbm>> -> memref<256xi32, #tpu.memory_space<hbm>>
      tpu.enqueue_dma source(%dma_start3A_284 : memref<256xi32, #tpu.memory_space<hbm>>) target(%arg6 : memref<256xi32, #tpu.memory_space<vmem>>) target_semaphore(%run_scoped3A : memref<!tpu.dma_semaphore, #tpu.memory_space<semaphore_mem>>)
      %dma_wait3A_285 = tpu.memref_slice %arg2[%mul3A_2] : memref<8192xi32, #tpu.memory_space<hbm>> -> memref<256xi32, #tpu.memory_space<hbm>>
      %dma_wait3A_286 = tpu.memref_slice %arg2[%mul3A_2] : memref<8192xi32, #tpu.memory_space<hbm>> -> memref<256xi32, #tpu.memory_space<hbm>>
      tpu.wait_dma2 semaphore(%run_scoped3A : memref<!tpu.dma_semaphore, #tpu.memory_space<semaphore_mem>>) src(%dma_wait3A_286 : memref<256xi32, #tpu.memory_space<hbm>>) dst(%arg6 : memref<256xi32, #tpu.memory_space<vmem>>)
      tpu.yield
    }) : () -> ()
    %iota3A = tpu.iota {dimensions = array<i32: 0>} : vector<16xi32>
    %dma_start3A = arith.constant 0 : i32
    %dma_start3A_3 = tpu.memref_slice %arg6[%dma_start3A] : memref<256xi32, #tpu.memory_space<vmem>> -> memref<80xi32, #tpu.memory_space<vmem>>
    %dma_start3A_4 = arith.constant 0 : i32
    %dma_start3A_5 = arith.constant 0 : i32
    %dma_start3A_6 = tpu.memref_slice %arg3[%dma_start3A_4, %dma_start3A_5] : memref<1000x256xf32, #tpu.memory_space<hbm>> -> memref<1000x256xf32, #tpu.memory_space<hbm>>
    tpu.enqueue_indirect_dma source(%dma_start3A_6 : memref<1000x256xf32, #tpu.memory_space<hbm>>) target(%arg7 : memref<80x256xf32, #tpu.memory_space<vmem>>) offsets(%dma_start3A_3 : memref<80xi32, #tpu.memory_space<vmem>>) semaphore(%arg11 : memref<!tpu.dma_semaphore, #tpu.memory_space<semaphore_mem>>)
    %dma_start3A_7 = arith.constant 80 : i32
    %dma_start3A_8 = tpu.memref_slice %arg6[%dma_start3A_7] : memref<256xi32, #tpu.memory_space<vmem>> -> memref<128xi32, #tpu.memory_space<vmem>>
    %dma_start3A_9 = arith.constant 0 : i32
    %dma_start3A_10 = arith.constant 0 : i32
    %dma_start3A_11 = tpu.memref_slice %arg3[%dma_start3A_9, %dma_start3A_10] : memref<1000x256xf32, #tpu.memory_space<hbm>> -> memref<1000x256xf32, #tpu.memory_space<hbm>>
    tpu.enqueue_indirect_dma source(%dma_start3A_11 : memref<1000x256xf32, #tpu.memory_space<hbm>>) target(%arg8 : memref<128x256xf32, #tpu.memory_space<vmem>>) offsets(%dma_start3A_8 : memref<128xi32, #tpu.memory_space<vmem>>) semaphore(%arg12 : memref<!tpu.dma_semaphore, #tpu.memory_space<semaphore_mem>>)
    %dma_start3A_12 = arith.constant 208 : i32
    %dma_start3A_13 = tpu.memref_slice %arg6[%dma_start3A_12] : memref<256xi32, #tpu.memory_space<vmem>> -> memref<48xi32, #tpu.memory_space<vmem>>
    %dma_start3A_14 = arith.constant 0 : i32
    %dma_start3A_15 = arith.constant 0 : i32
    %dma_start3A_16 = tpu.memref_slice %arg4[%dma_start3A_14, %dma_start3A_15] : memref<1000x128xf32, #tpu.memory_space<hbm>> -> memref<1000x128xf32, #tpu.memory_space<hbm>>
    tpu.enqueue_indirect_dma source(%dma_start3A_16 : memref<1000x128xf32, #tpu.memory_space<hbm>>) target(%arg9 : memref<48x128xf32, #tpu.memory_space<vmem>>) offsets(%dma_start3A_13 : memref<48xi32, #tpu.memory_space<vmem>>) semaphore(%arg12 : memref<!tpu.dma_semaphore, #tpu.memory_space<semaphore_mem>>)
    %broadcast_in_dim3A = arith.constant 0.000000e+00 : f32
    %broadcast_in_dim3A_17 = vector.broadcast %broadcast_in_dim3A : f32 to vector<16xf32>
    %add3A_18 = arith.constant 0 : i32
    %add3A_19 = vector.broadcast %add3A_18 : i32 to vector<16xi32>
    %add3A_20 = arith.addi %iota3A, %add3A_19 : vector<16xi32>
    %add3A_21 = arith.constant 16 : i32
    %add3A_22 = vector.broadcast %add3A_21 : i32 to vector<16xi32>
    %add3A_23 = arith.addi %iota3A, %add3A_22 : vector<16xi32>
    %add3A_24 = arith.constant 32 : i32
    %add3A_25 = vector.broadcast %add3A_24 : i32 to vector<16xi32>
    %add3A_26 = arith.addi %iota3A, %add3A_25 : vector<16xi32>
    %add3A_27 = arith.constant 48 : i32
    %add3A_28 = vector.broadcast %add3A_27 : i32 to vector<16xi32>
    %add3A_29 = arith.addi %iota3A, %add3A_28 : vector<16xi32>
    %add3A_30 = arith.constant 64 : i32
    %add3A_31 = vector.broadcast %add3A_30 : i32 to vector<16xi32>
    %add3A_32 = arith.addi %iota3A, %add3A_31 : vector<16xi32>
    %add3A_33 = arith.constant 0 : i32
    %add3A_34 = vector.broadcast %add3A_33 : i32 to vector<16xi32>
    %add3A_35 = arith.addi %iota3A, %add3A_34 : vector<16xi32>
    %add3A_36 = arith.constant 16 : i32
    %add3A_37 = vector.broadcast %add3A_36 : i32 to vector<16xi32>
    %add3A_38 = arith.addi %iota3A, %add3A_37 : vector<16xi32>
    %add3A_39 = arith.constant 32 : i32
    %add3A_40 = vector.broadcast %add3A_39 : i32 to vector<16xi32>
    %add3A_41 = arith.addi %iota3A, %add3A_40 : vector<16xi32>
    %add3A_42 = arith.constant 48 : i32
    %add3A_43 = vector.broadcast %add3A_42 : i32 to vector<16xi32>
    %add3A_44 = arith.addi %iota3A, %add3A_43 : vector<16xi32>
    %add3A_45 = arith.constant 64 : i32
    %add3A_46 = vector.broadcast %add3A_45 : i32 to vector<16xi32>
    %add3A_47 = arith.addi %iota3A, %add3A_46 : vector<16xi32>
    %add3A_48 = arith.constant 80 : i32
    %add3A_49 = vector.broadcast %add3A_48 : i32 to vector<16xi32>
    %add3A_50 = arith.addi %iota3A, %add3A_49 : vector<16xi32>
    %add3A_51 = arith.constant 96 : i32
    %add3A_52 = vector.broadcast %add3A_51 : i32 to vector<16xi32>
    %add3A_53 = arith.addi %iota3A, %add3A_52 : vector<16xi32>
    %add3A_54 = arith.constant 112 : i32
    %add3A_55 = vector.broadcast %add3A_54 : i32 to vector<16xi32>
    %add3A_56 = arith.addi %iota3A, %add3A_55 : vector<16xi32>
    %add3A_57 = arith.constant 0 : i32
    %add3A_58 = vector.broadcast %add3A_57 : i32 to vector<16xi32>
    %add3A_59 = arith.addi %iota3A, %add3A_58 : vector<16xi32>
    %add3A_60 = arith.constant 16 : i32
    %add3A_61 = vector.broadcast %add3A_60 : i32 to vector<16xi32>
    %add3A_62 = arith.addi %iota3A, %add3A_61 : vector<16xi32>
    %add3A_63 = arith.constant 32 : i32
    %add3A_64 = vector.broadcast %add3A_63 : i32 to vector<16xi32>
    %add3A_65 = arith.addi %iota3A, %add3A_64 : vector<16xi32>
    %dma_wait3A = arith.constant 0 : i32
    %dma_wait3A_66 = tpu.memref_slice %arg6[%dma_wait3A] : memref<256xi32, #tpu.memory_space<vmem>> -> memref<80xi32, #tpu.memory_space<vmem>>
    %dma_wait3A_67 = arith.constant 0 : i32
    %dma_wait3A_68 = arith.constant 0 : i32
    %dma_wait3A_69 = tpu.memref_slice %arg3[%dma_wait3A_67, %dma_wait3A_68] : memref<1000x256xf32, #tpu.memory_space<hbm>> -> memref<1000x256xf32, #tpu.memory_space<hbm>>
    tpu.wait_indirect_dma semaphore(%arg11 : memref<!tpu.dma_semaphore, #tpu.memory_space<semaphore_mem>>) src(%dma_wait3A_69 : memref<1000x256xf32, #tpu.memory_space<hbm>>) dst(%arg7 : memref<80x256xf32, #tpu.memory_space<vmem>>)
    %parallel_loop3A = arith.constant 0 : i32
    %parallel_loop3A_70 = arith.constant 128 : i32
    %parallel_loop3A_71 = arith.constant 1 : i32
    %parallel_loop3A_72 = arith.constant 5.000000e-01 : f32
    %parallel_loop3A_73:3 = scf.for %parallel_loop3A_283 = %parallel_loop3A to %parallel_loop3A_70 step %parallel_loop3A_71 iter_args(%parallel_loop3A_284 = %broadcast_in_dim3A_17, %parallel_loop3A_285 = %broadcast_in_dim3A_17, %parallel_loop3A_286 = %broadcast_in_dim3A_17) -> (vector<16xf32>, vector<16xf32>, vector<16xf32>)  : i32 {
      %parallel_loop3A_287 = vector.broadcast %parallel_loop3A_283 : i32 to vector<16xi32>
      %parallel_loop3A_288 = arith.addi %iota3A, %parallel_loop3A_287 : vector<16xi32>
      %parallel_loop3A_289 = arith.constant 127 : i32
      %parallel_loop3A_290 = vector.broadcast %parallel_loop3A_289 : i32 to vector<16xi32>
      %parallel_loop3A_291 = arith.andi %parallel_loop3A_288, %parallel_loop3A_290 : vector<16xi32>
      %parallel_loop3A_292 = arith.constant 128 : i32
      %parallel_loop3A_293 = vector.broadcast %parallel_loop3A_292 : i32 to vector<16xi32>
      %parallel_loop3A_294 = arith.addi %parallel_loop3A_291, %parallel_loop3A_293 : vector<16xi32>
      %parallel_loop3A_295 = tpu.vector_load_idx %arg7[%add3A_20, %parallel_loop3A_291] : memref<80x256xf32, #tpu.memory_space<vmem>>[vector<16xi32>, vector<16xi32>], vector<16xf32>,
      %parallel_loop3A_296 = tpu.vector_load_idx %arg7[%add3A_23, %parallel_loop3A_291] : memref<80x256xf32, #tpu.memory_space<vmem>>[vector<16xi32>, vector<16xi32>], vector<16xf32>,
      %parallel_loop3A_297 = arith.subf %parallel_loop3A_295, %parallel_loop3A_296 : vector<16xf32>
      %parallel_loop3A_298 = math.absf %parallel_loop3A_297 : vector<16xf32>
      %parallel_loop3A_299 = tpu.vector_load_idx %arg7[%add3A_20, %parallel_loop3A_294] : memref<80x256xf32, #tpu.memory_space<vmem>>[vector<16xi32>, vector<16xi32>], vector<16xf32>,
      %parallel_loop3A_300 = math.absf %parallel_loop3A_299 : vector<16xf32>
      %parallel_loop3A_301 = arith.addf %parallel_loop3A_298, %parallel_loop3A_300 : vector<16xf32>
      %parallel_loop3A_302 = tpu.vector_load_idx %arg7[%add3A_23, %parallel_loop3A_294] : memref<80x256xf32, #tpu.memory_space<vmem>>[vector<16xi32>, vector<16xi32>], vector<16xf32>,
      %parallel_loop3A_303 = math.absf %parallel_loop3A_302 : vector<16xf32>
      %parallel_loop3A_304 = arith.subf %parallel_loop3A_301, %parallel_loop3A_303 : vector<16xf32>
      %parallel_loop3A_305 = arith.constant 0.000000e+00 : f32
      %parallel_loop3A_306 = vector.broadcast %parallel_loop3A_305 : f32 to vector<16xf32>
      %parallel_loop3A_307 = arith.maximumf %parallel_loop3A_304, %parallel_loop3A_306 : vector<16xf32>
      %parallel_loop3A_308 = arith.mulf %parallel_loop3A_307, %parallel_loop3A_307 : vector<16xf32>
      %parallel_loop3A_309 = arith.addf %parallel_loop3A_284, %parallel_loop3A_308 : vector<16xf32>
      %parallel_loop3A_310 = tpu.vector_load_idx %arg7[%add3A_26, %parallel_loop3A_291] : memref<80x256xf32, #tpu.memory_space<vmem>>[vector<16xi32>, vector<16xi32>], vector<16xf32>,
      %parallel_loop3A_311 = tpu.vector_load_idx %arg7[%add3A_26, %parallel_loop3A_294] : memref<80x256xf32, #tpu.memory_space<vmem>>[vector<16xi32>, vector<16xi32>], vector<16xf32>,
      %parallel_loop3A_312 = math.absf %parallel_loop3A_311 : vector<16xf32>
      %parallel_loop3A_313 = tpu.vector_load_idx %arg7[%add3A_29, %parallel_loop3A_291] : memref<80x256xf32, #tpu.memory_space<vmem>>[vector<16xi32>, vector<16xi32>], vector<16xf32>,
      %parallel_loop3A_314 = tpu.vector_load_idx %arg7[%add3A_29, %parallel_loop3A_294] : memref<80x256xf32, #tpu.memory_space<vmem>>[vector<16xi32>, vector<16xi32>], vector<16xf32>,
      %parallel_loop3A_315 = math.absf %parallel_loop3A_314 : vector<16xf32>
      %parallel_loop3A_316 = tpu.vector_load_idx %arg7[%add3A_32, %parallel_loop3A_291] : memref<80x256xf32, #tpu.memory_space<vmem>>[vector<16xi32>, vector<16xi32>], vector<16xf32>,
      %parallel_loop3A_317 = tpu.vector_load_idx %arg7[%add3A_32, %parallel_loop3A_294] : memref<80x256xf32, #tpu.memory_space<vmem>>[vector<16xi32>, vector<16xi32>], vector<16xf32>,
      %parallel_loop3A_318 = math.absf %parallel_loop3A_317 : vector<16xf32>
      %parallel_loop3A_319 = arith.subf %parallel_loop3A_310, %parallel_loop3A_312 : vector<16xf32>
      %parallel_loop3A_320 = arith.subf %parallel_loop3A_313, %parallel_loop3A_315 : vector<16xf32>
      %parallel_loop3A_321 = arith.maximumf %parallel_loop3A_319, %parallel_loop3A_320 : vector<16xf32>
      %parallel_loop3A_322 = arith.addf %parallel_loop3A_310, %parallel_loop3A_312 : vector<16xf32>
      %parallel_loop3A_323 = arith.addf %parallel_loop3A_313, %parallel_loop3A_315 : vector<16xf32>
      %parallel_loop3A_324 = arith.minimumf %parallel_loop3A_322, %parallel_loop3A_323 : vector<16xf32>
      %parallel_loop3A_325 = arith.subf %parallel_loop3A_321, %parallel_loop3A_324 : vector<16xf32>
      %parallel_loop3A_326 = arith.addf %parallel_loop3A_321, %parallel_loop3A_324 : vector<16xf32>
      %parallel_loop3A_327 = vector.broadcast %parallel_loop3A_72 : f32 to vector<16xf32>
      %parallel_loop3A_328 = arith.mulf %parallel_loop3A_327, %parallel_loop3A_326 : vector<16xf32>
      %parallel_loop3A_329 = arith.subf %parallel_loop3A_328, %parallel_loop3A_316 : vector<16xf32>
      %parallel_loop3A_330 = math.absf %parallel_loop3A_329 : vector<16xf32>
      %parallel_loop3A_331 = math.absf %parallel_loop3A_325 : vector<16xf32>
      %parallel_loop3A_332 = vector.broadcast %parallel_loop3A_72 : f32 to vector<16xf32>
      %parallel_loop3A_333 = arith.mulf %parallel_loop3A_332, %parallel_loop3A_331 : vector<16xf32>
      %parallel_loop3A_334 = arith.addf %parallel_loop3A_330, %parallel_loop3A_333 : vector<16xf32>
      %parallel_loop3A_335 = arith.subf %parallel_loop3A_334, %parallel_loop3A_318 : vector<16xf32>
      %parallel_loop3A_336 = arith.constant 0.000000e+00 : f32
      %parallel_loop3A_337 = vector.broadcast %parallel_loop3A_336 : f32 to vector<16xf32>
      %parallel_loop3A_338 = arith.maximumf %parallel_loop3A_335, %parallel_loop3A_337 : vector<16xf32>
      %parallel_loop3A_339 = arith.mulf %parallel_loop3A_338, %parallel_loop3A_338 : vector<16xf32>
      %parallel_loop3A_340 = arith.addf %parallel_loop3A_285, %parallel_loop3A_339 : vector<16xf32>
      %parallel_loop3A_341 = arith.constant 0.000000e+00 : f32
      %parallel_loop3A_342 = vector.broadcast %parallel_loop3A_341 : f32 to vector<16xf32>
      %parallel_loop3A_343 = arith.maximumf %parallel_loop3A_325, %parallel_loop3A_342 : vector<16xf32>
      %parallel_loop3A_344 = arith.mulf %parallel_loop3A_343, %parallel_loop3A_343 : vector<16xf32>
      %parallel_loop3A_345 = arith.addf %parallel_loop3A_286, %parallel_loop3A_344 : vector<16xf32>
      scf.yield %parallel_loop3A_309, %parallel_loop3A_340, %parallel_loop3A_345 : vector<16xf32>, vector<16xf32>, vector<16xf32>
    } {sc.loop_unroll_factor = 1 : i64, sc.parallel_access}
    %dma_wait3A_74 = arith.constant 80 : i32
    %dma_wait3A_75 = tpu.memref_slice %arg6[%dma_wait3A_74] : memref<256xi32, #tpu.memory_space<vmem>> -> memref<128xi32, #tpu.memory_space<vmem>>
    %dma_wait3A_76 = arith.constant 0 : i32
    %dma_wait3A_77 = arith.constant 0 : i32
    %dma_wait3A_78 = tpu.memref_slice %arg3[%dma_wait3A_76, %dma_wait3A_77] : memref<1000x256xf32, #tpu.memory_space<hbm>> -> memref<1000x256xf32, #tpu.memory_space<hbm>>
    tpu.wait_indirect_dma semaphore(%arg12 : memref<!tpu.dma_semaphore, #tpu.memory_space<semaphore_mem>>) src(%dma_wait3A_78 : memref<1000x256xf32, #tpu.memory_space<hbm>>) dst(%arg8 : memref<128x256xf32, #tpu.memory_space<vmem>>)
    %dma_wait3A_79 = arith.constant 208 : i32
    %dma_wait3A_80 = tpu.memref_slice %arg6[%dma_wait3A_79] : memref<256xi32, #tpu.memory_space<vmem>> -> memref<48xi32, #tpu.memory_space<vmem>>
    %dma_wait3A_81 = arith.constant 0 : i32
    %dma_wait3A_82 = arith.constant 0 : i32
    %dma_wait3A_83 = tpu.memref_slice %arg4[%dma_wait3A_81, %dma_wait3A_82] : memref<1000x128xf32, #tpu.memory_space<hbm>> -> memref<1000x128xf32, #tpu.memory_space<hbm>>
    tpu.wait_indirect_dma semaphore(%arg12 : memref<!tpu.dma_semaphore, #tpu.memory_space<semaphore_mem>>) src(%dma_wait3A_83 : memref<1000x128xf32, #tpu.memory_space<hbm>>) dst(%arg9 : memref<48x128xf32, #tpu.memory_space<vmem>>)
    %parallel_loop3A_84 = arith.constant 0 : i32
    %parallel_loop3A_85 = arith.constant 128 : i32
    %parallel_loop3A_86 = arith.constant 1 : i32
    %parallel_loop3A_87:3 = scf.for %parallel_loop3A_283 = %parallel_loop3A_84 to %parallel_loop3A_85 step %parallel_loop3A_86 iter_args(%parallel_loop3A_284 = %broadcast_in_dim3A_17, %parallel_loop3A_285 = %broadcast_in_dim3A_17, %parallel_loop3A_286 = %broadcast_in_dim3A_17) -> (vector<16xf32>, vector<16xf32>, vector<16xf32>)  : i32 {
      %parallel_loop3A_287 = vector.broadcast %parallel_loop3A_283 : i32 to vector<16xi32>
      %parallel_loop3A_288 = arith.addi %iota3A, %parallel_loop3A_287 : vector<16xi32>
      %parallel_loop3A_289 = arith.constant 127 : i32
      %parallel_loop3A_290 = vector.broadcast %parallel_loop3A_289 : i32 to vector<16xi32>
      %parallel_loop3A_291 = arith.andi %parallel_loop3A_288, %parallel_loop3A_290 : vector<16xi32>
      %parallel_loop3A_292 = arith.constant 128 : i32
      %parallel_loop3A_293 = vector.broadcast %parallel_loop3A_292 : i32 to vector<16xi32>
      %parallel_loop3A_294 = arith.addi %parallel_loop3A_291, %parallel_loop3A_293 : vector<16xi32>
      %parallel_loop3A_295 = tpu.vector_load_idx %arg8[%add3A_35, %parallel_loop3A_291] : memref<128x256xf32, #tpu.memory_space<vmem>>[vector<16xi32>, vector<16xi32>], vector<16xf32>,
      %parallel_loop3A_296 = tpu.vector_load_idx %arg9[%add3A_59, %parallel_loop3A_291] : memref<48x128xf32, #tpu.memory_space<vmem>>[vector<16xi32>, vector<16xi32>], vector<16xf32>,
      %parallel_loop3A_297 = arith.addf %parallel_loop3A_295, %parallel_loop3A_296 : vector<16xf32>
      %parallel_loop3A_298 = tpu.vector_load_idx %arg8[%add3A_38, %parallel_loop3A_291] : memref<128x256xf32, #tpu.memory_space<vmem>>[vector<16xi32>, vector<16xi32>], vector<16xf32>,
      %parallel_loop3A_299 = arith.subf %parallel_loop3A_297, %parallel_loop3A_298 : vector<16xf32>
      %parallel_loop3A_300 = math.absf %parallel_loop3A_299 : vector<16xf32>
      %parallel_loop3A_301 = tpu.vector_load_idx %arg8[%add3A_35, %parallel_loop3A_294] : memref<128x256xf32, #tpu.memory_space<vmem>>[vector<16xi32>, vector<16xi32>], vector<16xf32>,
      %parallel_loop3A_302 = math.absf %parallel_loop3A_301 : vector<16xf32>
      %parallel_loop3A_303 = arith.addf %parallel_loop3A_300, %parallel_loop3A_302 : vector<16xf32>
      %parallel_loop3A_304 = tpu.vector_load_idx %arg8[%add3A_38, %parallel_loop3A_294] : memref<128x256xf32, #tpu.memory_space<vmem>>[vector<16xi32>, vector<16xi32>], vector<16xf32>,
      %parallel_loop3A_305 = math.absf %parallel_loop3A_304 : vector<16xf32>
      %parallel_loop3A_306 = arith.subf %parallel_loop3A_303, %parallel_loop3A_305 : vector<16xf32>
      %parallel_loop3A_307 = arith.constant 0.000000e+00 : f32
      %parallel_loop3A_308 = vector.broadcast %parallel_loop3A_307 : f32 to vector<16xf32>
      %parallel_loop3A_309 = arith.maximumf %parallel_loop3A_306, %parallel_loop3A_308 : vector<16xf32>
      %parallel_loop3A_310 = arith.mulf %parallel_loop3A_309, %parallel_loop3A_309 : vector<16xf32>
      %parallel_loop3A_311 = arith.addf %parallel_loop3A_284, %parallel_loop3A_310 : vector<16xf32>
      %parallel_loop3A_312 = tpu.vector_load_idx %arg8[%add3A_41, %parallel_loop3A_291] : memref<128x256xf32, #tpu.memory_space<vmem>>[vector<16xi32>, vector<16xi32>], vector<16xf32>,
      %parallel_loop3A_313 = tpu.vector_load_idx %arg9[%add3A_62, %parallel_loop3A_291] : memref<48x128xf32, #tpu.memory_space<vmem>>[vector<16xi32>, vector<16xi32>], vector<16xf32>,
      %parallel_loop3A_314 = arith.subf %parallel_loop3A_312, %parallel_loop3A_313 : vector<16xf32>
      %parallel_loop3A_315 = tpu.vector_load_idx %arg8[%add3A_44, %parallel_loop3A_291] : memref<128x256xf32, #tpu.memory_space<vmem>>[vector<16xi32>, vector<16xi32>], vector<16xf32>,
      %parallel_loop3A_316 = arith.subf %parallel_loop3A_314, %parallel_loop3A_315 : vector<16xf32>
      %parallel_loop3A_317 = math.absf %parallel_loop3A_316 : vector<16xf32>
      %parallel_loop3A_318 = tpu.vector_load_idx %arg8[%add3A_41, %parallel_loop3A_294] : memref<128x256xf32, #tpu.memory_space<vmem>>[vector<16xi32>, vector<16xi32>], vector<16xf32>,
      %parallel_loop3A_319 = math.absf %parallel_loop3A_318 : vector<16xf32>
      %parallel_loop3A_320 = arith.subf %parallel_loop3A_317, %parallel_loop3A_319 : vector<16xf32>
      %parallel_loop3A_321 = tpu.vector_load_idx %arg8[%add3A_44, %parallel_loop3A_294] : memref<128x256xf32, #tpu.memory_space<vmem>>[vector<16xi32>, vector<16xi32>], vector<16xf32>,
      %parallel_loop3A_322 = math.absf %parallel_loop3A_321 : vector<16xf32>
      %parallel_loop3A_323 = arith.subf %parallel_loop3A_320, %parallel_loop3A_322 : vector<16xf32>
      %parallel_loop3A_324 = arith.constant 0.000000e+00 : f32
      %parallel_loop3A_325 = vector.broadcast %parallel_loop3A_324 : f32 to vector<16xf32>
      %parallel_loop3A_326 = arith.maximumf %parallel_loop3A_323, %parallel_loop3A_325 : vector<16xf32>
      %parallel_loop3A_327 = arith.mulf %parallel_loop3A_326, %parallel_loop3A_326 : vector<16xf32>
      %parallel_loop3A_328 = arith.addf %parallel_loop3A_311, %parallel_loop3A_327 : vector<16xf32>
      %parallel_loop3A_329 = tpu.vector_load_idx %arg8[%add3A_47, %parallel_loop3A_291] : memref<128x256xf32, #tpu.memory_space<vmem>>[vector<16xi32>, vector<16xi32>], vector<16xf32>,
      %parallel_loop3A_330 = tpu.vector_load_idx %arg8[%add3A_50, %parallel_loop3A_291] : memref<128x256xf32, #tpu.memory_space<vmem>>[vector<16xi32>, vector<16xi32>], vector<16xf32>,
      %parallel_loop3A_331 = arith.subf %parallel_loop3A_329, %parallel_loop3A_330 : vector<16xf32>
      %parallel_loop3A_332 = math.absf %parallel_loop3A_331 : vector<16xf32>
      %parallel_loop3A_333 = tpu.vector_load_idx %arg8[%add3A_47, %parallel_loop3A_294] : memref<128x256xf32, #tpu.memory_space<vmem>>[vector<16xi32>, vector<16xi32>], vector<16xf32>,
      %parallel_loop3A_334 = math.absf %parallel_loop3A_333 : vector<16xf32>
      %parallel_loop3A_335 = arith.subf %parallel_loop3A_332, %parallel_loop3A_334 : vector<16xf32>
      %parallel_loop3A_336 = tpu.vector_load_idx %arg8[%add3A_50, %parallel_loop3A_294] : memref<128x256xf32, #tpu.memory_space<vmem>>[vector<16xi32>, vector<16xi32>], vector<16xf32>,
      %parallel_loop3A_337 = math.absf %parallel_loop3A_336 : vector<16xf32>
      %parallel_loop3A_338 = arith.subf %parallel_loop3A_335, %parallel_loop3A_337 : vector<16xf32>
      %parallel_loop3A_339 = arith.constant 0.000000e+00 : f32
      %parallel_loop3A_340 = vector.broadcast %parallel_loop3A_339 : f32 to vector<16xf32>
      %parallel_loop3A_341 = arith.maximumf %parallel_loop3A_338, %parallel_loop3A_340 : vector<16xf32>
      %parallel_loop3A_342 = arith.mulf %parallel_loop3A_341, %parallel_loop3A_341 : vector<16xf32>
      %parallel_loop3A_343 = arith.addf %parallel_loop3A_285, %parallel_loop3A_342 : vector<16xf32>
      %parallel_loop3A_344 = tpu.vector_load_idx %arg8[%add3A_53, %parallel_loop3A_291] : memref<128x256xf32, #tpu.memory_space<vmem>>[vector<16xi32>, vector<16xi32>], vector<16xf32>,
      %parallel_loop3A_345 = tpu.vector_load_idx %arg9[%add3A_65, %parallel_loop3A_291] : memref<48x128xf32, #tpu.memory_space<vmem>>[vector<16xi32>, vector<16xi32>], vector<16xf32>,
      %parallel_loop3A_346 = arith.addf %parallel_loop3A_344, %parallel_loop3A_345 : vector<16xf32>
      %parallel_loop3A_347 = tpu.vector_load_idx %arg8[%add3A_56, %parallel_loop3A_291] : memref<128x256xf32, #tpu.memory_space<vmem>>[vector<16xi32>, vector<16xi32>], vector<16xf32>,
      %parallel_loop3A_348 = arith.subf %parallel_loop3A_346, %parallel_loop3A_347 : vector<16xf32>
      %parallel_loop3A_349 = math.absf %parallel_loop3A_348 : vector<16xf32>
      %parallel_loop3A_350 = tpu.vector_load_idx %arg8[%add3A_53, %parallel_loop3A_294] : memref<128x256xf32, #tpu.memory_space<vmem>>[vector<16xi32>, vector<16xi32>], vector<16xf32>,
      %parallel_loop3A_351 = math.absf %parallel_loop3A_350 : vector<16xf32>
      %parallel_loop3A_352 = arith.subf %parallel_loop3A_349, %parallel_loop3A_351 : vector<16xf32>
      %parallel_loop3A_353 = tpu.vector_load_idx %arg8[%add3A_56, %parallel_loop3A_294] : memref<128x256xf32, #tpu.memory_space<vmem>>[vector<16xi32>, vector<16xi32>], vector<16xf32>,
      %parallel_loop3A_354 = math.absf %parallel_loop3A_353 : vector<16xf32>
      %parallel_loop3A_355 = arith.subf %parallel_loop3A_352, %parallel_loop3A_354 : vector<16xf32>
      %parallel_loop3A_356 = arith.constant 0.000000e+00 : f32
      %parallel_loop3A_357 = vector.broadcast %parallel_loop3A_356 : f32 to vector<16xf32>
      %parallel_loop3A_358 = arith.maximumf %parallel_loop3A_355, %parallel_loop3A_357 : vector<16xf32>
      %parallel_loop3A_359 = arith.mulf %parallel_loop3A_358, %parallel_loop3A_358 : vector<16xf32>
      %parallel_loop3A_360 = arith.addf %parallel_loop3A_286, %parallel_loop3A_359 : vector<16xf32>
      scf.yield %parallel_loop3A_328, %parallel_loop3A_343, %parallel_loop3A_360 : vector<16xf32>, vector<16xf32>, vector<16xf32>
    } {sc.loop_unroll_factor = 1 : i64, sc.parallel_access}
    %add3A_88 = arith.addf %parallel_loop3A_73#0, %parallel_loop3A_87#0 : vector<16xf32>
    %max3A = arith.constant 1.000000e-30 : f32
    %max3A_89 = vector.broadcast %max3A : f32 to vector<16xf32>
    %max3A_90 = arith.maximumf %parallel_loop3A_87#1, %max3A_89 : vector<16xf32>
    %bitcast_convert_type3A = tpu.bitcast %max3A_90 : vector<16xf32> -> vector<16xi32>
    %shift_right_arithmetic3A = arith.constant 1 : i32
    %shift_right_arithmetic3A_91 = vector.broadcast %shift_right_arithmetic3A : i32 to vector<16xi32>
    %shift_right_arithmetic3A_92 = arith.shrsi %bitcast_convert_type3A, %shift_right_arithmetic3A_91 : vector<16xi32>
    %sub3A = arith.constant 1597463007 : i32
    %sub3A_93 = vector.broadcast %sub3A : i32 to vector<16xi32>
    %sub3A_94 = arith.subi %sub3A_93, %shift_right_arithmetic3A_92 : vector<16xi32>
    %bitcast_convert_type3A_95 = tpu.bitcast %sub3A_94 : vector<16xi32> -> vector<16xf32>
    %mul3A_96 = arith.constant 5.000000e-01 : f32
    %mul3A_97 = vector.broadcast %mul3A_96 : f32 to vector<16xf32>
    %mul3A_98 = arith.mulf %mul3A_97, %max3A_90 : vector<16xf32>
    %mul3A_99 = arith.mulf %mul3A_98, %bitcast_convert_type3A_95 : vector<16xf32>
    %mul3A_100 = arith.mulf %mul3A_99, %bitcast_convert_type3A_95 : vector<16xf32>
    %sub3A_101 = arith.constant 1.500000e+00 : f32
    %sub3A_102 = vector.broadcast %sub3A_101 : f32 to vector<16xf32>
    %sub3A_103 = arith.subf %sub3A_102, %mul3A_100 : vector<16xf32>
    %mul3A_104 = arith.mulf %bitcast_convert_type3A_95, %sub3A_103 : vector<16xf32>
    %mul3A_105 = arith.constant 5.000000e-01 : f32
    %mul3A_106 = vector.broadcast %mul3A_105 : f32 to vector<16xf32>
    %mul3A_107 = arith.mulf %mul3A_106, %max3A_90 : vector<16xf32>
    %mul3A_108 = arith.mulf %mul3A_107, %mul3A_104 : vector<16xf32>
    %mul3A_109 = arith.mulf %mul3A_108, %mul3A_104 : vector<16xf32>
    %sub3A_110 = arith.constant 1.500000e+00 : f32
    %sub3A_111 = vector.broadcast %sub3A_110 : f32 to vector<16xf32>
    %sub3A_112 = arith.subf %sub3A_111, %mul3A_109 : vector<16xf32>
    %mul3A_113 = arith.mulf %mul3A_104, %sub3A_112 : vector<16xf32>
    %mul3A_114 = arith.constant 5.000000e-01 : f32
    %mul3A_115 = vector.broadcast %mul3A_114 : f32 to vector<16xf32>
    %mul3A_116 = arith.mulf %mul3A_115, %max3A_90 : vector<16xf32>
    %mul3A_117 = arith.mulf %mul3A_116, %mul3A_113 : vector<16xf32>
    %mul3A_118 = arith.mulf %mul3A_117, %mul3A_113 : vector<16xf32>
    %sub3A_119 = arith.constant 1.500000e+00 : f32
    %sub3A_120 = vector.broadcast %sub3A_119 : f32 to vector<16xf32>
    %sub3A_121 = arith.subf %sub3A_120, %mul3A_118 : vector<16xf32>
    %mul3A_122 = arith.mulf %mul3A_113, %sub3A_121 : vector<16xf32>
    %mul3A_123 = arith.mulf %parallel_loop3A_87#1, %mul3A_122 : vector<16xf32>
    %sub3A_124 = arith.constant 2.000000e+00 : f32
    %sub3A_125 = vector.broadcast %sub3A_124 : f32 to vector<16xf32>
    %sub3A_126 = arith.subf %sub3A_125, %mul3A_123 : vector<16xf32>
    %max3A_127 = arith.constant 0.000000e+00 : f32
    %max3A_128 = vector.broadcast %max3A_127 : f32 to vector<16xf32>
    %max3A_129 = arith.maximumf %sub3A_126, %max3A_128 : vector<16xf32>
    %max3A_130 = arith.constant 1.000000e-30 : f32
    %max3A_131 = vector.broadcast %max3A_130 : f32 to vector<16xf32>
    %max3A_132 = arith.maximumf %parallel_loop3A_87#2, %max3A_131 : vector<16xf32>
    %bitcast_convert_type3A_133 = tpu.bitcast %max3A_132 : vector<16xf32> -> vector<16xi32>
    %shift_right_arithmetic3A_134 = arith.constant 1 : i32
    %shift_right_arithmetic3A_135 = vector.broadcast %shift_right_arithmetic3A_134 : i32 to vector<16xi32>
    %shift_right_arithmetic3A_136 = arith.shrsi %bitcast_convert_type3A_133, %shift_right_arithmetic3A_135 : vector<16xi32>
    %sub3A_137 = arith.constant 1597463007 : i32
    %sub3A_138 = vector.broadcast %sub3A_137 : i32 to vector<16xi32>
    %sub3A_139 = arith.subi %sub3A_138, %shift_right_arithmetic3A_136 : vector<16xi32>
    %bitcast_convert_type3A_140 = tpu.bitcast %sub3A_139 : vector<16xi32> -> vector<16xf32>
    %mul3A_141 = arith.constant 5.000000e-01 : f32
    %mul3A_142 = vector.broadcast %mul3A_141 : f32 to vector<16xf32>
    %mul3A_143 = arith.mulf %mul3A_142, %max3A_132 : vector<16xf32>
    %mul3A_144 = arith.mulf %mul3A_143, %bitcast_convert_type3A_140 : vector<16xf32>
    %mul3A_145 = arith.mulf %mul3A_144, %bitcast_convert_type3A_140 : vector<16xf32>
    %sub3A_146 = arith.constant 1.500000e+00 : f32
    %sub3A_147 = vector.broadcast %sub3A_146 : f32 to vector<16xf32>
    %sub3A_148 = arith.subf %sub3A_147, %mul3A_145 : vector<16xf32>
    %mul3A_149 = arith.mulf %bitcast_convert_type3A_140, %sub3A_148 : vector<16xf32>
    %mul3A_150 = arith.constant 5.000000e-01 : f32
    %mul3A_151 = vector.broadcast %mul3A_150 : f32 to vector<16xf32>
    %mul3A_152 = arith.mulf %mul3A_151, %max3A_132 : vector<16xf32>
    %mul3A_153 = arith.mulf %mul3A_152, %mul3A_149 : vector<16xf32>
    %mul3A_154 = arith.mulf %mul3A_153, %mul3A_149 : vector<16xf32>
    %sub3A_155 = arith.constant 1.500000e+00 : f32
    %sub3A_156 = vector.broadcast %sub3A_155 : f32 to vector<16xf32>
    %sub3A_157 = arith.subf %sub3A_156, %mul3A_154 : vector<16xf32>
    %mul3A_158 = arith.mulf %mul3A_149, %sub3A_157 : vector<16xf32>
    %mul3A_159 = arith.constant 5.000000e-01 : f32
    %mul3A_160 = vector.broadcast %mul3A_159 : f32 to vector<16xf32>
    %mul3A_161 = arith.mulf %mul3A_160, %max3A_132 : vector<16xf32>
    %mul3A_162 = arith.mulf %mul3A_161, %mul3A_158 : vector<16xf32>
    %mul3A_163 = arith.mulf %mul3A_162, %mul3A_158 : vector<16xf32>
    %sub3A_164 = arith.constant 1.500000e+00 : f32
    %sub3A_165 = vector.broadcast %sub3A_164 : f32 to vector<16xf32>
    %sub3A_166 = arith.subf %sub3A_165, %mul3A_163 : vector<16xf32>
    %mul3A_167 = arith.mulf %mul3A_158, %sub3A_166 : vector<16xf32>
    %mul3A_168 = arith.mulf %parallel_loop3A_87#2, %mul3A_167 : vector<16xf32>
    %sub3A_169 = arith.constant 2.000000e+00 : f32
    %sub3A_170 = vector.broadcast %sub3A_169 : f32 to vector<16xf32>
    %sub3A_171 = arith.subf %sub3A_170, %mul3A_168 : vector<16xf32>
    %swap3A = arith.constant 0 : i32
    %swap3A_172 = arith.index_cast %swap3A : i32 to index
    %swap3A_173 = arith.constant 0 : index
    %swap3A_174 = tpu.vector_load %arg10[%swap3A_172, %swap3A_173] {strides = array<i32>} : memref<8x16xf32, #tpu.memory_space<vmem>>, vector<16xf32>,
    tpu.vector_store %arg10[%swap3A_172, %swap3A_173], %add3A_88 {strides = array<i32>} : memref<8x16xf32, #tpu.memory_space<vmem>>, vector<16xf32>,
    %swap3A_175 = arith.constant 1 : i32
    %swap3A_176 = arith.index_cast %swap3A_175 : i32 to index
    %swap3A_177 = arith.constant 0 : index
    %swap3A_178 = tpu.vector_load %arg10[%swap3A_176, %swap3A_177] {strides = array<i32>} : memref<8x16xf32, #tpu.memory_space<vmem>>, vector<16xf32>,
    tpu.vector_store %arg10[%swap3A_176, %swap3A_177], %parallel_loop3A_73#1 {strides = array<i32>} : memref<8x16xf32, #tpu.memory_space<vmem>>, vector<16xf32>,
    %max3A_179 = arith.constant 1.000000e-30 : f32
    %max3A_180 = vector.broadcast %max3A_179 : f32 to vector<16xf32>
    %max3A_181 = arith.maximumf %parallel_loop3A_73#1, %max3A_180 : vector<16xf32>
    %bitcast_convert_type3A_182 = tpu.bitcast %max3A_181 : vector<16xf32> -> vector<16xi32>
    %shift_right_arithmetic3A_183 = arith.constant 1 : i32
    %shift_right_arithmetic3A_184 = vector.broadcast %shift_right_arithmetic3A_183 : i32 to vector<16xi32>
    %shift_right_arithmetic3A_185 = arith.shrsi %bitcast_convert_type3A_182, %shift_right_arithmetic3A_184 : vector<16xi32>
    %sub3A_186 = arith.constant 1597463007 : i32
    %sub3A_187 = vector.broadcast %sub3A_186 : i32 to vector<16xi32>
    %sub3A_188 = arith.subi %sub3A_187, %shift_right_arithmetic3A_185 : vector<16xi32>
    %bitcast_convert_type3A_189 = tpu.bitcast %sub3A_188 : vector<16xi32> -> vector<16xf32>
    %mul3A_190 = arith.constant 5.000000e-01 : f32
    %mul3A_191 = vector.broadcast %mul3A_190 : f32 to vector<16xf32>
    %mul3A_192 = arith.mulf %mul3A_191, %max3A_181 : vector<16xf32>
    %mul3A_193 = arith.mulf %mul3A_192, %bitcast_convert_type3A_189 : vector<16xf32>
    %mul3A_194 = arith.mulf %mul3A_193, %bitcast_convert_type3A_189 : vector<16xf32>
    %sub3A_195 = arith.constant 1.500000e+00 : f32
    %sub3A_196 = vector.broadcast %sub3A_195 : f32 to vector<16xf32>
    %sub3A_197 = arith.subf %sub3A_196, %mul3A_194 : vector<16xf32>
    %mul3A_198 = arith.mulf %bitcast_convert_type3A_189, %sub3A_197 : vector<16xf32>
    %mul3A_199 = arith.constant 5.000000e-01 : f32
    %mul3A_200 = vector.broadcast %mul3A_199 : f32 to vector<16xf32>
    %mul3A_201 = arith.mulf %mul3A_200, %max3A_181 : vector<16xf32>
    %mul3A_202 = arith.mulf %mul3A_201, %mul3A_198 : vector<16xf32>
    %mul3A_203 = arith.mulf %mul3A_202, %mul3A_198 : vector<16xf32>
    %sub3A_204 = arith.constant 1.500000e+00 : f32
    %sub3A_205 = vector.broadcast %sub3A_204 : f32 to vector<16xf32>
    %sub3A_206 = arith.subf %sub3A_205, %mul3A_203 : vector<16xf32>
    %mul3A_207 = arith.mulf %mul3A_198, %sub3A_206 : vector<16xf32>
    %mul3A_208 = arith.constant 5.000000e-01 : f32
    %mul3A_209 = vector.broadcast %mul3A_208 : f32 to vector<16xf32>
    %mul3A_210 = arith.mulf %mul3A_209, %max3A_181 : vector<16xf32>
    %mul3A_211 = arith.mulf %mul3A_210, %mul3A_207 : vector<16xf32>
    %mul3A_212 = arith.mulf %mul3A_211, %mul3A_207 : vector<16xf32>
    %sub3A_213 = arith.constant 1.500000e+00 : f32
    %sub3A_214 = vector.broadcast %sub3A_213 : f32 to vector<16xf32>
    %sub3A_215 = arith.subf %sub3A_214, %mul3A_212 : vector<16xf32>
    %mul3A_216 = arith.mulf %mul3A_207, %sub3A_215 : vector<16xf32>
    %mul3A_217 = arith.mulf %parallel_loop3A_73#1, %mul3A_216 : vector<16xf32>
    %swap3A_218 = arith.constant 2 : i32
    %swap3A_219 = arith.index_cast %swap3A_218 : i32 to index
    %swap3A_220 = arith.constant 0 : index
    %swap3A_221 = tpu.vector_load %arg10[%swap3A_219, %swap3A_220] {strides = array<i32>} : memref<8x16xf32, #tpu.memory_space<vmem>>, vector<16xf32>,
    tpu.vector_store %arg10[%swap3A_219, %swap3A_220], %mul3A_217 {strides = array<i32>} : memref<8x16xf32, #tpu.memory_space<vmem>>, vector<16xf32>,
    %swap3A_222 = arith.constant 3 : i32
    %swap3A_223 = arith.index_cast %swap3A_222 : i32 to index
    %swap3A_224 = arith.constant 0 : index
    %swap3A_225 = tpu.vector_load %arg10[%swap3A_223, %swap3A_224] {strides = array<i32>} : memref<8x16xf32, #tpu.memory_space<vmem>>, vector<16xf32>,
    tpu.vector_store %arg10[%swap3A_223, %swap3A_224], %parallel_loop3A_73#2 {strides = array<i32>} : memref<8x16xf32, #tpu.memory_space<vmem>>, vector<16xf32>,
    %max3A_226 = arith.constant 1.000000e-30 : f32
    %max3A_227 = vector.broadcast %max3A_226 : f32 to vector<16xf32>
    %max3A_228 = arith.maximumf %parallel_loop3A_73#2, %max3A_227 : vector<16xf32>
    %bitcast_convert_type3A_229 = tpu.bitcast %max3A_228 : vector<16xf32> -> vector<16xi32>
    %shift_right_arithmetic3A_230 = arith.constant 1 : i32
    %shift_right_arithmetic3A_231 = vector.broadcast %shift_right_arithmetic3A_230 : i32 to vector<16xi32>
    %shift_right_arithmetic3A_232 = arith.shrsi %bitcast_convert_type3A_229, %shift_right_arithmetic3A_231 : vector<16xi32>
    %sub3A_233 = arith.constant 1597463007 : i32
    %sub3A_234 = vector.broadcast %sub3A_233 : i32 to vector<16xi32>
    %sub3A_235 = arith.subi %sub3A_234, %shift_right_arithmetic3A_232 : vector<16xi32>
    %bitcast_convert_type3A_236 = tpu.bitcast %sub3A_235 : vector<16xi32> -> vector<16xf32>
    %mul3A_237 = arith.constant 5.000000e-01 : f32
    %mul3A_238 = vector.broadcast %mul3A_237 : f32 to vector<16xf32>
    %mul3A_239 = arith.mulf %mul3A_238, %max3A_228 : vector<16xf32>
    %mul3A_240 = arith.mulf %mul3A_239, %bitcast_convert_type3A_236 : vector<16xf32>
    %mul3A_241 = arith.mulf %mul3A_240, %bitcast_convert_type3A_236 : vector<16xf32>
    %sub3A_242 = arith.constant 1.500000e+00 : f32
    %sub3A_243 = vector.broadcast %sub3A_242 : f32 to vector<16xf32>
    %sub3A_244 = arith.subf %sub3A_243, %mul3A_241 : vector<16xf32>
    %mul3A_245 = arith.mulf %bitcast_convert_type3A_236, %sub3A_244 : vector<16xf32>
    %mul3A_246 = arith.constant 5.000000e-01 : f32
    %mul3A_247 = vector.broadcast %mul3A_246 : f32 to vector<16xf32>
    %mul3A_248 = arith.mulf %mul3A_247, %max3A_228 : vector<16xf32>
    %mul3A_249 = arith.mulf %mul3A_248, %mul3A_245 : vector<16xf32>
    %mul3A_250 = arith.mulf %mul3A_249, %mul3A_245 : vector<16xf32>
    %sub3A_251 = arith.constant 1.500000e+00 : f32
    %sub3A_252 = vector.broadcast %sub3A_251 : f32 to vector<16xf32>
    %sub3A_253 = arith.subf %sub3A_252, %mul3A_250 : vector<16xf32>
    %mul3A_254 = arith.mulf %mul3A_245, %sub3A_253 : vector<16xf32>
    %mul3A_255 = arith.constant 5.000000e-01 : f32
    %mul3A_256 = vector.broadcast %mul3A_255 : f32 to vector<16xf32>
    %mul3A_257 = arith.mulf %mul3A_256, %max3A_228 : vector<16xf32>
    %mul3A_258 = arith.mulf %mul3A_257, %mul3A_254 : vector<16xf32>
    %mul3A_259 = arith.mulf %mul3A_258, %mul3A_254 : vector<16xf32>
    %sub3A_260 = arith.constant 1.500000e+00 : f32
    %sub3A_261 = vector.broadcast %sub3A_260 : f32 to vector<16xf32>
    %sub3A_262 = arith.subf %sub3A_261, %mul3A_259 : vector<16xf32>
    %mul3A_263 = arith.mulf %mul3A_254, %sub3A_262 : vector<16xf32>
    %mul3A_264 = arith.mulf %parallel_loop3A_73#2, %mul3A_263 : vector<16xf32>
    %swap3A_265 = arith.constant 4 : i32
    %swap3A_266 = arith.index_cast %swap3A_265 : i32 to index
    %swap3A_267 = arith.constant 0 : index
    %swap3A_268 = tpu.vector_load %arg10[%swap3A_266, %swap3A_267] {strides = array<i32>} : memref<8x16xf32, #tpu.memory_space<vmem>>, vector<16xf32>,
    tpu.vector_store %arg10[%swap3A_266, %swap3A_267], %mul3A_264 {strides = array<i32>} : memref<8x16xf32, #tpu.memory_space<vmem>>, vector<16xf32>,
    %mul3A_269 = arith.mulf %max3A_129, %max3A_129 : vector<16xf32>
    %swap3A_270 = arith.constant 5 : i32
    %swap3A_271 = arith.index_cast %swap3A_270 : i32 to index
    %swap3A_272 = arith.constant 0 : index
    %swap3A_273 = tpu.vector_load %arg10[%swap3A_271, %swap3A_272] {strides = array<i32>} : memref<8x16xf32, #tpu.memory_space<vmem>>, vector<16xf32>,
    tpu.vector_store %arg10[%swap3A_271, %swap3A_272], %mul3A_269 {strides = array<i32>} : memref<8x16xf32, #tpu.memory_space<vmem>>, vector<16xf32>,
    %mul3A_274 = arith.mulf %sub3A_171, %sub3A_171 : vector<16xf32>
    %swap3A_275 = arith.constant 6 : i32
    %swap3A_276 = arith.index_cast %swap3A_275 : i32 to index
    %swap3A_277 = arith.constant 0 : index
    %swap3A_278 = tpu.vector_load %arg10[%swap3A_276, %swap3A_277] {strides = array<i32>} : memref<8x16xf32, #tpu.memory_space<vmem>>, vector<16xf32>,
    tpu.vector_store %arg10[%swap3A_276, %swap3A_277], %mul3A_274 {strides = array<i32>} : memref<8x16xf32, #tpu.memory_space<vmem>>, vector<16xf32>,
    %swap3A_279 = arith.constant 7 : i32
    %swap3A_280 = arith.index_cast %swap3A_279 : i32 to index
    %swap3A_281 = arith.constant 0 : index
    %swap3A_282 = tpu.vector_load %arg10[%swap3A_280, %swap3A_281] {strides = array<i32>} : memref<8x16xf32, #tpu.memory_space<vmem>>, vector<16xf32>,
    tpu.vector_store %arg10[%swap3A_280, %swap3A_281], %broadcast_in_dim3A_17 {strides = array<i32>} : memref<8x16xf32, #tpu.memory_space<vmem>>, vector<16xf32>,
    "tpu.region"() ({
      %run_scoped3A = tpu.sem_alloc : memref<!tpu.dma_semaphore, #tpu.memory_space<semaphore_mem>>
      %dma_start3A_283 = arith.constant 0 : i32
      %dma_start3A_284 = arith.constant 0 : i32
      %dma_start3A_285 = tpu.memref_slice %arg5[%add3A, %dma_start3A_283, %dma_start3A_284] : memref<32x8x16xf32, #tpu.memory_space<hbm>> -> memref<1x8x16xf32, #tpu.memory_space<hbm>>
      %dma_start3A_286 = tpu.memref_squeeze %dma_start3A_285 : memref<1x8x16xf32, #tpu.memory_space<hbm>> -> memref<8x16xf32, #tpu.memory_space<hbm>>
      %dma_start3A_287 = arith.constant 0 : i32
      %dma_start3A_288 = arith.constant 0 : i32
      %dma_start3A_289 = tpu.memref_slice %arg5[%add3A, %dma_start3A_287, %dma_start3A_288] : memref<32x8x16xf32, #tpu.memory_space<hbm>> -> memref<1x8x16xf32, #tpu.memory_space<hbm>>
      %dma_start3A_290 = tpu.memref_squeeze %dma_start3A_289 : memref<1x8x16xf32, #tpu.memory_space<hbm>> -> memref<8x16xf32, #tpu.memory_space<hbm>>
      tpu.enqueue_dma source(%arg10 : memref<8x16xf32, #tpu.memory_space<vmem>>) target(%dma_start3A_290 : memref<8x16xf32, #tpu.memory_space<hbm>>) target_semaphore(%run_scoped3A : memref<!tpu.dma_semaphore, #tpu.memory_space<semaphore_mem>>)
      %dma_wait3A_291 = arith.constant 0 : i32
      %dma_wait3A_292 = arith.constant 0 : i32
      %dma_wait3A_293 = tpu.memref_slice %arg5[%add3A, %dma_wait3A_291, %dma_wait3A_292] : memref<32x8x16xf32, #tpu.memory_space<hbm>> -> memref<1x8x16xf32, #tpu.memory_space<hbm>>
      %dma_wait3A_294 = tpu.memref_squeeze %dma_wait3A_293 : memref<1x8x16xf32, #tpu.memory_space<hbm>> -> memref<8x16xf32, #tpu.memory_space<hbm>>
      %dma_wait3A_295 = arith.constant 0 : i32
      %dma_wait3A_296 = arith.constant 0 : i32
      %dma_wait3A_297 = tpu.memref_slice %arg5[%add3A, %dma_wait3A_295, %dma_wait3A_296] : memref<32x8x16xf32, #tpu.memory_space<hbm>> -> memref<1x8x16xf32, #tpu.memory_space<hbm>>
      %dma_wait3A_298 = tpu.memref_squeeze %dma_wait3A_297 : memref<1x8x16xf32, #tpu.memory_space<hbm>> -> memref<8x16xf32, #tpu.memory_space<hbm>>
      tpu.wait_dma2 semaphore(%run_scoped3A : memref<!tpu.dma_semaphore, #tpu.memory_space<semaphore_mem>>) src(%arg10 : memref<8x16xf32, #tpu.memory_space<vmem>>) dst(%dma_wait3A_298 : memref<8x16xf32, #tpu.memory_space<hbm>>)
      tpu.yield
    }) : () -> ()
    return
  }
}

module attributes {stable_mosaic.version = 14 : i64} {
  func.func @_finish_body(%arg0: memref<32x8x16xf32, #tpu.memory_space<vmem>>, %arg1: memref<1x1xf32, #tpu.memory_space<vmem>>) attributes {dimension_semantics = [], scalar_prefetch = 0 : i64, scratch_operands = 0 : i64, tpu.core_type = #tpu.core_type<tc>} {
    %get3A = arith.constant 0 : index
    %get3A_0 = arith.constant 0 : index
    %get3A_1 = arith.constant 0 : index
    %get3A_2 = vector.load %arg0[%get3A, %get3A_0, %get3A_1] : memref<32x8x16xf32, #tpu.memory_space<vmem>>, vector<32x8x16xf32>
    %slice3A = vector.extract_strided_slice %get3A_2 {offsets = [0, 0, 0], sizes = [32, 1, 16], strides = [1, 1, 1]} : vector<32x8x16xf32> to vector<32x1x16xf32>
    %squeeze3A = vector.shape_cast %slice3A : vector<32x1x16xf32> to vector<32x16xf32>
    %reduce_sum3A = vector.shape_cast %squeeze3A : vector<32x16xf32> to vector<1x32x16xf32>
    %reduce_sum3A_3 = arith.constant dense<0.000000e+00> : vector<1xf32>
    %reduce_sum3A_4 = vector.multi_reduction <add>, %reduce_sum3A, %reduce_sum3A_3 [1, 2] : vector<1x32x16xf32> to vector<1xf32>
    %reduce_sum3A_5 = vector.shape_cast %reduce_sum3A_4 : vector<1xf32> to vector<1x1x1xf32>
    %reduce_sum3A_6 = vector.extract %reduce_sum3A_5[0, 0, 0] : f32 from vector<1x1x1xf32>
    %slice3A_7 = vector.extract_strided_slice %get3A_2 {offsets = [0, 1, 0], sizes = [32, 1, 16], strides = [1, 1, 1]} : vector<32x8x16xf32> to vector<32x1x16xf32>
    %squeeze3A_8 = vector.shape_cast %slice3A_7 : vector<32x1x16xf32> to vector<32x16xf32>
    %reduce_sum3A_9 = vector.shape_cast %squeeze3A_8 : vector<32x16xf32> to vector<1x32x16xf32>
    %reduce_sum3A_10 = arith.constant dense<0.000000e+00> : vector<1xf32>
    %reduce_sum3A_11 = vector.multi_reduction <add>, %reduce_sum3A_9, %reduce_sum3A_10 [1, 2] : vector<1x32x16xf32> to vector<1xf32>
    %reduce_sum3A_12 = vector.shape_cast %reduce_sum3A_11 : vector<1xf32> to vector<1x1x1xf32>
    %reduce_sum3A_13 = vector.extract %reduce_sum3A_12[0, 0, 0] : f32 from vector<1x1x1xf32>
    %slice3A_14 = vector.extract_strided_slice %get3A_2 {offsets = [0, 2, 0], sizes = [32, 1, 16], strides = [1, 1, 1]} : vector<32x8x16xf32> to vector<32x1x16xf32>
    %squeeze3A_15 = vector.shape_cast %slice3A_14 : vector<32x1x16xf32> to vector<32x16xf32>
    %reduce_sum3A_16 = vector.shape_cast %squeeze3A_15 : vector<32x16xf32> to vector<1x32x16xf32>
    %reduce_sum3A_17 = arith.constant dense<0.000000e+00> : vector<1xf32>
    %reduce_sum3A_18 = vector.multi_reduction <add>, %reduce_sum3A_16, %reduce_sum3A_17 [1, 2] : vector<1x32x16xf32> to vector<1xf32>
    %reduce_sum3A_19 = vector.shape_cast %reduce_sum3A_18 : vector<1xf32> to vector<1x1x1xf32>
    %reduce_sum3A_20 = vector.extract %reduce_sum3A_19[0, 0, 0] : f32 from vector<1x1x1xf32>
    %slice3A_21 = vector.extract_strided_slice %get3A_2 {offsets = [0, 3, 0], sizes = [32, 1, 16], strides = [1, 1, 1]} : vector<32x8x16xf32> to vector<32x1x16xf32>
    %squeeze3A_22 = vector.shape_cast %slice3A_21 : vector<32x1x16xf32> to vector<32x16xf32>
    %reduce_sum3A_23 = vector.shape_cast %squeeze3A_22 : vector<32x16xf32> to vector<1x32x16xf32>
    %reduce_sum3A_24 = arith.constant dense<0.000000e+00> : vector<1xf32>
    %reduce_sum3A_25 = vector.multi_reduction <add>, %reduce_sum3A_23, %reduce_sum3A_24 [1, 2] : vector<1x32x16xf32> to vector<1xf32>
    %reduce_sum3A_26 = vector.shape_cast %reduce_sum3A_25 : vector<1xf32> to vector<1x1x1xf32>
    %reduce_sum3A_27 = vector.extract %reduce_sum3A_26[0, 0, 0] : f32 from vector<1x1x1xf32>
    %slice3A_28 = vector.extract_strided_slice %get3A_2 {offsets = [0, 4, 0], sizes = [32, 1, 16], strides = [1, 1, 1]} : vector<32x8x16xf32> to vector<32x1x16xf32>
    %squeeze3A_29 = vector.shape_cast %slice3A_28 : vector<32x1x16xf32> to vector<32x16xf32>
    %reduce_sum3A_30 = vector.shape_cast %squeeze3A_29 : vector<32x16xf32> to vector<1x32x16xf32>
    %reduce_sum3A_31 = arith.constant dense<0.000000e+00> : vector<1xf32>
    %reduce_sum3A_32 = vector.multi_reduction <add>, %reduce_sum3A_30, %reduce_sum3A_31 [1, 2] : vector<1x32x16xf32> to vector<1xf32>
    %reduce_sum3A_33 = vector.shape_cast %reduce_sum3A_32 : vector<1xf32> to vector<1x1x1xf32>
    %reduce_sum3A_34 = vector.extract %reduce_sum3A_33[0, 0, 0] : f32 from vector<1x1x1xf32>
    %slice3A_35 = vector.extract_strided_slice %get3A_2 {offsets = [0, 5, 0], sizes = [32, 1, 16], strides = [1, 1, 1]} : vector<32x8x16xf32> to vector<32x1x16xf32>
    %squeeze3A_36 = vector.shape_cast %slice3A_35 : vector<32x1x16xf32> to vector<32x16xf32>
    %reduce_sum3A_37 = vector.shape_cast %squeeze3A_36 : vector<32x16xf32> to vector<1x32x16xf32>
    %reduce_sum3A_38 = arith.constant dense<0.000000e+00> : vector<1xf32>
    %reduce_sum3A_39 = vector.multi_reduction <add>, %reduce_sum3A_37, %reduce_sum3A_38 [1, 2] : vector<1x32x16xf32> to vector<1xf32>
    %reduce_sum3A_40 = vector.shape_cast %reduce_sum3A_39 : vector<1xf32> to vector<1x1x1xf32>
    %reduce_sum3A_41 = vector.extract %reduce_sum3A_40[0, 0, 0] : f32 from vector<1x1x1xf32>
    %slice3A_42 = vector.extract_strided_slice %get3A_2 {offsets = [0, 6, 0], sizes = [32, 1, 16], strides = [1, 1, 1]} : vector<32x8x16xf32> to vector<32x1x16xf32>
    %squeeze3A_43 = vector.shape_cast %slice3A_42 : vector<32x1x16xf32> to vector<32x16xf32>
    %reduce_sum3A_44 = vector.shape_cast %squeeze3A_43 : vector<32x16xf32> to vector<1x32x16xf32>
    %reduce_sum3A_45 = arith.constant dense<0.000000e+00> : vector<1xf32>
    %reduce_sum3A_46 = vector.multi_reduction <add>, %reduce_sum3A_44, %reduce_sum3A_45 [1, 2] : vector<1x32x16xf32> to vector<1xf32>
    %reduce_sum3A_47 = vector.shape_cast %reduce_sum3A_46 : vector<1xf32> to vector<1x1x1xf32>
    %reduce_sum3A_48 = vector.extract %reduce_sum3A_47[0, 0, 0] : f32 from vector<1x1x1xf32>
    %mul3A = arith.constant 0.001953125 : f32
    %mul3A_49 = arith.mulf %mul3A, %reduce_sum3A_13 : f32
    %mul3A_50 = arith.constant 0.001953125 : f32
    %mul3A_51 = arith.mulf %mul3A_50, %reduce_sum3A_27 : f32
    %add3A = arith.addf %mul3A_49, %mul3A_51 : f32
    %mul3A_52 = arith.constant 0.001953125 : f32
    %mul3A_53 = arith.mulf %mul3A_52, %reduce_sum3A_20 : f32
    %mul3A_54 = arith.constant 2.000000e+00 : f32
    %mul3A_55 = arith.mulf %mul3A_54, %mul3A_53 : f32
    %mul3A_56 = arith.constant 0.001953125 : f32
    %mul3A_57 = arith.mulf %mul3A_56, %reduce_sum3A_34 : f32
    %mul3A_58 = arith.mulf %mul3A_55, %mul3A_57 : f32
    %add3A_59 = arith.addf %add3A, %mul3A_58 : f32
    %mul3A_60 = arith.constant 0.001953125 : f32
    %mul3A_61 = arith.mulf %mul3A_60, %reduce_sum3A_6 : f32
    %add3A_62 = arith.addf %mul3A_61, %add3A_59 : f32
    %mul3A_63 = arith.constant 0.001953125 : f32
    %mul3A_64 = arith.mulf %mul3A_63, %reduce_sum3A_41 : f32
    %add3A_65 = arith.addf %add3A_62, %mul3A_64 : f32
    %mul3A_66 = arith.constant 0.001953125 : f32
    %mul3A_67 = arith.mulf %mul3A_66, %reduce_sum3A_48 : f32
    %add3A_68 = arith.addf %add3A_65, %mul3A_67 : f32
    %broadcast_in_dim3A = vector.broadcast %add3A_68 : f32 to vector<1x1xf32>
    %swap3A = arith.constant 0 : index
    %swap3A_69 = arith.constant 0 : index
    %swap3A_70 = vector.load %arg1[%swap3A, %swap3A_69] : memref<1x1xf32, #tpu.memory_space<vmem>>, vector<1x1xf32>
    tpu.vector_store %arg1[%swap3A, %swap3A_69], %broadcast_in_dim3A {strides = array<i32>} : memref<1x1xf32, #tpu.memory_space<vmem>>, vector<1x1xf32>,
    return
  }
}

</mosaic_0001>

<sc_bundles>
// kernel: _run.4.cloned.1.call-start
scs
__scs_entry_jumppad:
0x0: {  	(pc) =	sbr.rel $0x88, $3  }
0x1: {  	(tag) =	ssettag $0x0;
	lr =	simm.s32 $0x1  }
0x2: {  	[smem:$0x3F9E] =	sst lr;
	_ =	strace $0xD0000000  }
0x3: {  	_ = 	snop  }
0x4: {  	_ = 	snop  }
0x5: {  	_ = 	snop  }
0x6: {  	_ = 	snop  }
0x7: {  	_ = 	snop  }
__scs_overlays_trampoline_lowered:
0x8: {  	[smem:$0x3FAD] =	sst s0  }
0x9: {  	[smem:$0x3FAE] =	sst s1  }
0xa: {  	[smem:$0x3FAF] =	sst s2  }
0xb: {  	[smem:$0x3FB0] =	sst s3  }
0xc: {  	[smem:$0x3FB1] =	sst s4  }
0xd: {  	[smem:$0x3FB2] =	sst s5  }
0xe: {  	[smem:$0x3FB3] =	sst s6  }
0xf: {  	[smem:$0x3FB4] =	sst s7  }
0x10: {  	[smem:$0x3FB5] =	sst s8  }
0x11: {  	[smem:$0x3FB6] =	sst s9;
	s0 =	simm.s32 @!p0 $0x0  }
0x12: {  	s1 =	sld [smem:$0x3F9C];
	s0 =	simm.s32 @p0 $0x1  }
0x13: {  	[smem:$0x3FB7] =	sst s0;
	s0 =	simm.s32 @!p1 $0x0  }
0x14: {  	s2 =	sld [smem:$0x3F9B];
	s0 =	simm.s32 @p1 $0x1  }
0x15: {  	[smem:$0x3FB8] =	sst s0;
	s0 =	simm.s32 @!p2 $0x0  }
0x16: {  	s3 =	sld [smem:$0x3FDB];
	s0 =	simm.s32 @p2 $0x1  }
0x17: {  	s4 =	simm.s32 $0x1BF5;
	[smem:$0x3FBA] =	sst s0  }
0x18: {  	s0 =	sld [smem:$0x3F9D];
	_ =	swait.ge [sflag:s4], $0x0  }
0x19: {  	s7 =	sld [smem:$0x3F9E]  }
0x1a: {  	s8 =	sadd.s32 $0xFFFFE003, lr  }
0x1b: {  	s9 =	sadd.s32 $0xFFFFFEF7, lr;
	s5 =	simm.s32 $0xFFFFFFFF;
	p2 =	slt.u32 s8, $0xFFFFF086  }
0x1c: {  	p1 =	slt.u32 s9, $0xF7A;
	s5 =	simm.s32 @!p2 $0x0  }
0x1d: {  	s5 =	simm.s32 @p1 $0x1;
	p0 =	seq.s32 s7, s2  }
0x1e: {  	s7 =	smul.u32 @!p0 $0xF7A, s2;
	p2 =	seq.s32 @!p0 s5, $0x0  }
0x1f: {  	s9 =	smul.u32 $0xF7A, s1;
	s8 =	simm.s32 @!p0 $0x1BF5;
	p2 =	por !p2, p0  }
0x20: {  	[sflag:s8] =	ssyncset.s32 @!p0 $0xFFFFF086;
	s6 =	sadd.s32 @!p0 s3, s7;
	s7 =	simm.s32 @!p0 $0x108  }
0x21: {  	s3 =	sadd.s32 s3, s9;
	s6 =	sadd.s32 @!p0 $0x88, s6;
	s7 =	simm.s32 @p2 $0x1082  }
0x22: {  	[simem:s7], [sflag:s8] =	dma.local @!p0 [hbm:s6], $0xF7A  }
0x23: {  	s9 =	sor.u32 $0xD0000000, s2;
	s6 =	simm.s32 $0x108;
	_ =	swait.ge @!p0 [sflag:s8], $0x0  }
0x24: {  	s3 =	sadd.s32 $0x88, s3;
	s6 =	simm.s32 @!p1 $0x1082;
	[sflag:s4] =	ssyncset.s32 $0xFFFFF086  }
0x25: {  	[simem:s6], [sflag:s4] =	dma.local [hbm:s3], $0xF7A  }
0x26: {  	[smem:$0x3F9E] =	sst s1;
	(tag) =	ssettag s2;
	_ =	strace s9  }
0x27: {  	s1 =	sld [smem:$0x3FAE]  }
0x28: {  	s2 =	sld [smem:$0x3FAF]  }
0x29: {  	s4 =	sld [smem:$0x3FB1]  }
0x2a: {  	p0 =	seq.s32 s5, $0x0;
	s5 =	sld [smem:$0x3FB2]  }
0x2b: {  	s6 =	sld [smem:$0x3FB3]  }
0x2c: {  	s7 =	sld [smem:$0x3FB4]  }
0x2d: {  	s3 =	simm.s32 $0x108;
	s8 =	sld [smem:$0x3FB5]  }
0x2e: {  	s3 =	simm.s32 @!p0 $0x1082;
	s9 =	sld [smem:$0x3FB6]  }
0x2f: {  	lr =	sadd.s32 s0, s3;
	s0 =	sld [smem:$0x3FAD]  }
0x30: {  	s3 =	sld [smem:$0x3FB0]  }
0x31: {  	[smem:$0x3FB9] =	sst s10  }
0x32: {  	s10 =	sld [smem:$0x3FB7];
	_ =	sdelay $0x3  }
0x33: {  	p0 =	seq.s32 s10, $0x1;
	s10 =	sld [smem:$0x3FB9];
	_ =	sdelay $0x3  }
0x34: {  	[smem:$0x3FB9] =	sst s10  }
0x35: {  	s10 =	sld [smem:$0x3FB8];
	_ =	sdelay $0x3  }
0x36: {  	p1 =	seq.s32 s10, $0x1;
	s10 =	sld [smem:$0x3FB9];
	_ =	sdelay $0x3  }
0x37: {  	[smem:$0x3FB9] =	sst s10  }
0x38: {  	s10 =	sld [smem:$0x3FBA]  }
0x39: {  	_ = 	snop;
	(pc) =	sbr.ind lr, $3  }
0x3a: {  	_ = 	snop  }
0x3b: {  	_ = 	snop  }
0x3c: {  	p2 =	seq.s32 s10, $0x1;
	s10 =	sld [smem:$0x3FB9]  }
0x3d: {  	_ =	shalt  }
0x3e: {  	_ =	shalt  }
0x3f: {  	_ =	shalt  }
0x40: {  	_ =	shalt  }
0x41: {  	_ =	shalt  }
0x42: {  	_ =	shalt  }
0x43: {  	_ =	shalt  }
0x44: {  	_ =	shalt  }
0x45: {  	_ =	shalt  }
0x46: {  	_ =	shalt  }
0x47: {  	_ =	shalt  }
0x48: {  	_ =	shalt  }
0x49: {  	_ =	shalt  }
0x4a: {  	_ =	shalt  }
0x4b: {  	_ =	shalt  }
0x4c: {  	_ =	shalt  }
0x4d: {  	_ =	shalt  }
0x4e: {  	_ =	shalt  }
0x4f: {  	_ =	shalt  }
0x50: {  	_ =	shalt  }
0x51: {  	_ =	shalt  }
0x52: {  	_ =	shalt  }
0x53: {  	_ =	shalt  }
0x54: {  	_ =	shalt  }
0x55: {  	_ =	shalt  }
0x56: {  	_ =	shalt  }
0x57: {  	_ =	shalt  }
0x58: {  	_ =	shalt  }
0x59: {  	_ =	shalt  }
0x5a: {  	_ =	shalt  }
0x5b: {  	_ =	shalt  }
0x5c: {  	_ =	shalt  }
0x5d: {  	_ =	shalt  }
0x5e: {  	_ =	shalt  }
0x5f: {  	_ =	shalt  }
0x60: {  	_ =	shalt  }
0x61: {  	_ =	shalt  }
0x62: {  	_ =	shalt  }
0x63: {  	_ =	shalt  }
0x64: {  	_ =	shalt  }
0x65: {  	_ =	shalt  }
0x66: {  	_ =	shalt  }
0x67: {  	_ =	shalt  }
0x68: {  	_ =	shalt  }
0x69: {  	_ =	shalt  }
0x6a: {  	_ =	shalt  }
0x6b: {  	_ =	shalt  }
0x6c: {  	_ =	shalt  }
0x6d: {  	_ =	shalt  }
0x6e: {  	_ =	shalt  }
0x6f: {  	_ =	shalt  }
0x70: {  	_ =	shalt  }
0x71: {  	_ =	shalt  }
0x72: {  	_ =	shalt  }
0x73: {  	_ =	shalt  }
0x74: {  	_ =	shalt  }
0x75: {  	_ =	shalt  }
0x76: {  	_ =	shalt  }
0x77: {  	_ =	shalt  }
0x78: {  	_ =	shalt  }
0x79: {  	_ =	shalt  }
0x7a: {  	_ =	shalt  }
0x7b: {  	_ =	shalt  }
0x7c: {  	_ =	shalt  }
0x7d: {  	_ =	shalt  }
0x7e: {  	_ =	shalt  }
0x7f: {  	_ =	shalt  }
0x80: {  	_ =	shalt  }
0x81: {  	_ =	shalt  }
0x82: {  	_ =	shalt  }
0x83: {  	_ =	shalt  }
0x84: {  	_ =	shalt  }
0x85: {  	_ =	shalt  }
0x86: {  	_ =	shalt  }
0x87: {  	_ =	shalt  }
.Lfunc_end0:
.L_simem_size_0:
called_computation_lowered:
.L_overlay_start_0:
0x88: {  	s2 =	sld [smem:$0x3FD9]  }
0x89: {  	s3 =	sld [smem:$0x3FFE];
	_ =	sdelay $0x1  }
0x8a: {  	s1 =	srdreg.scid  }
0x8b: {  	s0 =	sand.u32 $0x1, s1  }
0x8c: {  	s17 =	sshll.u32 s0, $0xA;
	s2 =	sadd.s32 s3, s2  }
0x8d: {  	s2 =	sadd.s32 s2, s17  }
0x8e: {  	[smem:$0x3FC5] =	sst s2  }
0x8f: {  	_ = 	snop  }
0x90: {  	s2 =	sld [smem:$0x3FC9]  }
0x91: {  	s18 =	sld [smem:$0x3FC8]  }
0x92: {  	s4 =	sld [smem:$0x3FC7];
	(tm) =	ssettm $0x1  }
0x93: {  	s5 =	sld [smem:$0x3FFB];
	_ =	sdelay $0x3  }
0x94: {  	_ =	strace s5  }
0x95: {  	s5 =	sld [smem:$0x3FFC];
	_ =	sdelay $0x3  }
0x96: {  	_ =	strace s5  }
0x97: {  	s5 =	sld [smem:$0x3FFD];
	_ =	sdelay $0x3  }
0x98: {  	_ =	strace s5  }
0x99: {  	_ =	strace $0x8FFFFFFF  }
0x9a: {  	s19 =	sld [smem:$0x3FDB];
	_ =	sdelay $0x1  }
0x9b: {  	s6 =	simm.s32 $_scs_section_size  }
0x9c: {  	s7 =	simm.s32 $_size__tile_overlayer_lowered;
	s8 =	simm.s32 $_tile_overlayer_lowered  }
0x9d: {  	s22 =	simm.s32 $0x1BFF;
	s21 =	sshll.u32 s8, $0x1;
	s5 =	sadd.s32 s6, s19  }
0x9e: {  	s9 =	simm.s32 $0x0;
	s20 =	sshll.u32 s7, $0x1;
	s7 =	sadd.s32 s21, s5  }
0x9f: {  	[timem:s9], [sflag:s22] =	dma.local [hbm:s7], s20  }
0xa0: {  	_ =	swait.ge [sflag:s22], s20  }
0xa1: {  	s6 =	ssub.s32 $0x0, s20;
	[sflag:s22] =	ssyncset.done $0x0  }
0xa2: {  	[sflag:s22] =	ssyncadd.s32 s6;
	_ =	sdelay $0x1  }
0xa3: {  	s23 =	simm.s32 $0x1B8B  }
0xa4: {  	_ =	swait.ge [sflag:s23], $0x1  }
0xa5: {  	[sflag:s23] =	ssyncset.done $0x0  }
0xa6: {  	s25 =	simm.s32 $0x1B8E;
	s24 =	sld [smem:$0x3FFE];
	[sflag:s23] =	ssyncadd.s32 $0xFFFFFFFF  }
0xa7: {  	s26 =	simm.s32 $execute0_lowered;
	[smem:$0x3FD2] =	sst s25  }
0xa8: {  	s7 =	sshll.u32 s26, $0x1;
	_ =	strace $0x80000046;
	[dreg:$0x1] =	wrdreg $0xFFFFFFFF  }
0xa9: {  	s28 =	simm.s32 $_size_execute0_lowered;
	s5 =	sadd.s32 s5, s7;
	[dreg:$0x0] =	wrdreg $0x0  }
0xaa: {  	s7 =	sshll.u32 s28, $0x1;
	[dreg:$0x2] =	wrdreg s5  }
0xab: {  	[dreg:$0x3] =	wrdreg s7  }
0xac: {  	[dreg:$0x4] =	wrdreg $0xC0  }
0xad: {  	_ =	task [dreg:s9], $0x5FFFF  }
0xae: {  	[dreg:$0x1] =	wrdreg $0xFFFFFFFF  }
0xaf: {  	[dreg:$0x0] =	wrdreg $0x60  }
0xb0: {  	[dreg:$0x2] =	wrdreg s2  }
0xb1: {  	[dreg:$0x3] =	wrdreg s18  }
0xb2: {  	[dreg:$0x4] =	wrdreg s4  }
0xb3: {  	[dreg:$0x5] =	wrdreg s24  }
0xb4: {  	[dreg:$0x6] =	wrdreg $0x9  }
0xb5: {  	_ =	task.clear_ibuf [dreg:s9], $0x7FFFF;
	_ =	strace $0x90000046  }
0xb6: {  	s29 =	simm.s32 $0x9;
	_ =	strace $0x80000048  }
0xb7: {  	_ =	swait.ge [sflag:s29], $0x1  }
0xb8: {  	[sflag:s29] =	ssyncadd.s32 $0xFFFFFFFF  }
0xb9: {  	_ =	strace $0x90000048  }
0xba: {  	_ =	sfence  }
0xbb: {  	s30 =	sld [smem:$0x0];
	_ =	sdelay $0x2  }
0xbc: {  	s31 =	sshll.u32 s1, $0xD;
	s1 =	sshrl.u32 s1, $0x2  }
0xbd: {  	s3 =	sand.u32 $0x4000, s31;
	s1 =	sadd.s32 s1, s30  }
0xbe: {  	s0 =	sor.u32 s3, s0;
	s1 =	sshll.u32 s1, $0x11  }
0xbf: {  	s0 =	sor.u32 s1, s0  }
0xc0: {  	s0 =	sadd.s32 $0x8F2B, s0  }
0xc1: {  	[sflag:s0] =	ssyncadd.remote.s32 $0x1  }
0xc2: {  	_ =	sfence.sel $0xFFFF  }
0xc3: {  	[dreg:$0x0] =	wrdreg $0xFFFFFFFF;
	(pc) =	sbr.abs _section_cstart, $3  }
0xc4: {  	[dreg:$0x1] =	wrdreg $0xFFFFFFFF  }
0xc5: {  	_ =	task.clear_ibuf [dreg:s9], $0x2FFFF;
	_ =	strace $0x9FFFFFFF  }
0xc6: {  	(tm) =	ssettm $0x7FFFFFFF  }
0xc7: {  	_ =	shalt  }
tec
execute0_lowered:
.L_overlay_start_1:
0x0: {  	(tag) =	ssettag $0x1  }
0x1: {  	v0 =	vimm.s32 $0xB80;
	vm15 =	vcmask $0x300  }
0x2: {  	vm14 =	vcmask $0x704;
	vm13 =	vcmask $0xB08;
	vm12 =	vcmask $0xF0C  }
0x3: {  	vm11 =	vcmask $0x1310;
	vm10 =	vcmask $0x1714;
	vm9 =	vcmask $0x1B18  }
0x4: {  	vm8 =	vcmask $0x1F1C;
	vm7 =	vcmask $0x2320;
	vm6 =	vcmask $0x2724  }
0x5: {  	vm5 =	vcmask $0x2B28;
	vm4 =	vcmask $0x2F2C;
	vm3 =	vcmask $0x3330  }
0x6: {  	vm2 =	vcmask $0x3734;
	vm0 =	vmmov $0xffff;
	vm1 =	vcmask $0x3B38  }
0x7: {  	v5 =	vimm.s32 $0x1B80;
	v6 =	vimm.s32 $0xF80;
	v7 =	vimm.s32 $0x1F80  }
0x8: {  	v8 =	vimm.s32 $0x2B80;
	v9 =	vimm.s32 $0x2F80;
	v10 =	vimm.s32 $0x3B80  }
0x9: {  	v11 =	vimm.s32 $0x3F80;
	v12 =	vimm.s32 $0x4B80;
	v13 =	vimm.s32 $0x4F80  }
0xa: {  	v16 =	vimm.s32 $0x5B80;
	v17 =	vimm.s32 $0x5F80;
	v18 =	vimm.s32 $0x6B80  }
0xb: {  	v20 =	vimm.s32 $0x7B80;
	v21 =	vimm.s32 $0x6F80;
	v22 =	vimm.s32 $0x7F80  }
0xc: {  	v23 =	vimm.f32 $0.0e+00;
	v0 =	vsel vm15, $0x0, v0;
	v5 =	vsel vm15, $0x1000, v5  }
0xd: {  	v6 =	vsel vm15, $0x400, v6;
	v7 =	vsel vm15, $0x1400, v7;
	v8 =	vsel vm15, $0x2000, v8  }
0xe: {  	v9 =	vsel vm15, $0x2400, v9;
	v10 =	vsel vm15, $0x3000, v10;
	v11 =	vsel vm15, $0x3400, v11  }
0xf: {  	v12 =	vsel vm15, $0x4000, v12;
	v13 =	vsel vm15, $0x4400, v13;
	v16 =	vsel vm15, $0x5000, v16  }
0x10: {  	v17 =	vsel vm15, $0x5400, v17;
	v18 =	vsel vm15, $0x6000, v18;
	v20 =	vsel vm15, $0x7000, v20  }
0x11: {  	v21 =	vsel vm15, $0x6400, v21;
	v22 =	vsel vm15, $0x7400, v22;
	v0 =	vsel vm14, $0x80, v0  }
0x12: {  	v5 =	vsel vm14, $0x1080, v5;
	v6 =	vsel vm14, $0x480, v6;
	v7 =	vsel vm14, $0x1480, v7  }
0x13: {  	v8 =	vsel vm14, $0x2080, v8;
	v9 =	vsel vm14, $0x2480, v9;
	v10 =	vsel vm14, $0x3080, v10  }
0x14: {  	v11 =	vsel vm14, $0x3480, v11;
	v12 =	vsel vm14, $0x4080, v12;
	v13 =	vsel vm14, $0x4480, v13  }
0x15: {  	v16 =	vsel vm14, $0x5080, v16;
	v17 =	vsel vm14, $0x5480, v17;
	v18 =	vsel vm14, $0x6080, v18  }
0x16: {  	v20 =	vsel vm14, $0x7080, v20;
	v21 =	vsel vm14, $0x6480, v21;
	v22 =	vsel vm14, $0x7480, v22  }
0x17: {  	v0 =	vsel vm13, $0x100, v0;
	v5 =	vsel vm13, $0x1100, v5;
	v6 =	vsel vm13, $0x500, v6  }
0x18: {  	v7 =	vsel vm13, $0x1500, v7;
	v8 =	vsel vm13, $0x2100, v8;
	v9 =	vsel vm13, $0x2500, v9  }
0x19: {  	v10 =	vsel vm13, $0x3100, v10;
	v11 =	vsel vm13, $0x3500, v11;
	v12 =	vsel vm13, $0x4100, v12  }
0x1a: {  	v13 =	vsel vm13, $0x4500, v13;
	v16 =	vsel vm13, $0x5100, v16;
	v17 =	vsel vm13, $0x5500, v17  }
0x1b: {  	v18 =	vsel vm13, $0x6100, v18;
	v20 =	vsel vm13, $0x7100, v20;
	v21 =	vsel vm13, $0x6500, v21  }
0x1c: {  	v22 =	vsel vm13, $0x7500, v22;
	v0 =	vsel vm12, $0x180, v0;
	v5 =	vsel vm12, $0x1180, v5  }
0x1d: {  	v6 =	vsel vm12, $0x580, v6;
	v7 =	vsel vm12, $0x1580, v7;
	v8 =	vsel vm12, $0x2180, v8  }
0x1e: {  	v9 =	vsel vm12, $0x2580, v9;
	v10 =	vsel vm12, $0x3180, v10;
	v11 =	vsel vm12, $0x3580, v11  }
0x1f: {  	v12 =	vsel vm12, $0x4180, v12;
	v13 =	vsel vm12, $0x4580, v13;
	v16 =	vsel vm12, $0x5180, v16  }
0x20: {  	v17 =	vsel vm12, $0x5580, v17;
	v18 =	vsel vm12, $0x6180, v18;
	v20 =	vsel vm12, $0x7180, v20  }
0x21: {  	v21 =	vsel vm12, $0x6580, v21;
	v22 =	vsel vm12, $0x7580, v22;
	v0 =	vsel vm11, $0x200, v0  }
0x22: {  	v5 =	vsel vm11, $0x1200, v5;
	v6 =	vsel vm11, $0x600, v6;
	v7 =	vsel vm11, $0x1600, v7  }
0x23: {  	v8 =	vsel vm11, $0x2200, v8;
	v9 =	vsel vm11, $0x2600, v9;
	v10 =	vsel vm11, $0x3200, v10  }
0x24: {  	v11 =	vsel vm11, $0x3600, v11;
	v12 =	vsel vm11, $0x4200, v12;
	v13 =	vsel vm11, $0x4600, v13  }
0x25: {  	v16 =	vsel vm11, $0x5200, v16;
	v17 =	vsel vm11, $0x5600, v17;
	v18 =	vsel vm11, $0x6200, v18  }
0x26: {  	v20 =	vsel vm11, $0x7200, v20;
	v21 =	vsel vm11, $0x6600, v21;
	v22 =	vsel vm11, $0x7600, v22  }
0x27: {  	v0 =	vsel vm10, $0x280, v0;
	v5 =	vsel vm10, $0x1280, v5;
	v6 =	vsel vm10, $0x680, v6  }
0x28: {  	v7 =	vsel vm10, $0x1680, v7;
	v8 =	vsel vm10, $0x2280, v8;
	v9 =	vsel vm10, $0x2680, v9  }
0x29: {  	v10 =	vsel vm10, $0x3280, v10;
	v11 =	vsel vm10, $0x3680, v11;
	v12 =	vsel vm10, $0x4280, v12  }
0x2a: {  	v13 =	vsel vm10, $0x4680, v13;
	v16 =	vsel vm10, $0x5280, v16;
	v17 =	vsel vm10, $0x5680, v17  }
0x2b: {  	v18 =	vsel vm10, $0x6280, v18;
	v20 =	vsel vm10, $0x7280, v20;
	v21 =	vsel vm10, $0x6680, v21  }
0x2c: {  	v22 =	vsel vm10, $0x7680, v22;
	v0 =	vsel vm9, $0x300, v0;
	v5 =	vsel vm9, $0x1300, v5  }
0x2d: {  	v6 =	vsel vm9, $0x700, v6;
	v7 =	vsel vm9, $0x1700, v7;
	v8 =	vsel vm9, $0x2300, v8  }
0x2e: {  	v9 =	vsel vm9, $0x2700, v9;
	v10 =	vsel vm9, $0x3300, v10;
	v11 =	vsel vm9, $0x3700, v11  }
0x2f: {  	v12 =	vsel vm9, $0x4300, v12;
	v13 =	vsel vm9, $0x4700, v13;
	v16 =	vsel vm9, $0x5300, v16  }
0x30: {  	v17 =	vsel vm9, $0x5700, v17;
	v18 =	vsel vm9, $0x6300, v18;
	v20 =	vsel vm9, $0x7300, v20  }
0x31: {  	v21 =	vsel vm9, $0x6700, v21;
	v22 =	vsel vm9, $0x7700, v22;
	v0 =	vsel vm8, $0x380, v0  }
0x32: {  	v5 =	vsel vm8, $0x1380, v5;
	v6 =	vsel vm8, $0x780, v6;
	v7 =	vsel vm8, $0x1780, v7  }
0x33: {  	v8 =	vsel vm8, $0x2380, v8;
	v9 =	vsel vm8, $0x2780, v9;
	v10 =	vsel vm8, $0x3380, v10  }
0x34: {  	v11 =	vsel vm8, $0x3780, v11;
	v12 =	vsel vm8, $0x4380, v12;
	v13 =	vsel vm8, $0x4780, v13  }
0x35: {  	v16 =	vsel vm8, $0x5380, v16;
	v17 =	vsel vm8, $0x5780, v17;
	v18 =	vsel vm8, $0x6380, v18  }
0x36: {  	v20 =	vsel vm8, $0x7380, v20;
	v21 =	vsel vm8, $0x6780, v21;
	v22 =	vsel vm8, $0x7780, v22  }
0x37: {  	v1 =	vsel vm7, $0x800, v0;
	v0 =	vlaneseq.u32;
	v5 =	vsel vm7, $0x1800, v5  }
0x38: {  	v6 =	vsel vm7, $0xC00, v6;
	v7 =	vsel vm7, $0x1C00, v7;
	v8 =	vsel vm7, $0x2800, v8  }
0x39: {  	v9 =	vsel vm7, $0x2C00, v9;
	v10 =	vsel vm7, $0x3800, v10;
	v11 =	vsel vm7, $0x3C00, v11  }
0x3a: {  	v12 =	vsel vm7, $0x4800, v12;
	v13 =	vsel vm7, $0x4C00, v13;
	v16 =	vsel vm7, $0x5800, v16  }
0x3b: {  	v17 =	vsel vm7, $0x5C00, v17;
	v18 =	vsel vm7, $0x6800, v18;
	v20 =	vsel vm7, $0x7800, v20  }
0x3c: {  	v21 =	vsel vm7, $0x6C00, v21;
	v22 =	vsel vm7, $0x7C00, v22;
	v2 =	vsel vm6, $0x880, v1  }
0x3d: {  	v1 =	vand.u32 $0x7, v0;
	v3 =	vshrl.u32 v0, $0x3;
	v5 =	vsel vm6, $0x1880, v5  }
0x3e: {  	v6 =	vsel vm6, $0xC80, v6;
	v7 =	vsel vm6, $0x1C80, v7;
	v8 =	vsel vm6, $0x2880, v8  }
0x3f: {  	v9 =	vsel vm6, $0x2C80, v9;
	v10 =	vsel vm6, $0x3880, v10;
	v11 =	vsel vm6, $0x3C80, v11  }
0x40: {  	v12 =	vsel vm6, $0x4880, v12;
	v13 =	vsel vm6, $0x4C80, v13;
	v16 =	vsel vm6, $0x5880, v16  }
0x41: {  	v17 =	vsel vm6, $0x5C80, v17;
	v18 =	vsel vm6, $0x6880, v18;
	v20 =	vsel vm6, $0x7880, v20  }
0x42: {  	v21 =	vsel vm6, $0x6C80, v21;
	v22 =	vsel vm6, $0x7C80, v22;
	v2 =	vsel vm5, $0x900, v2  }
0x43: {  	v5 =	vsel vm5, $0x1900, v5;
	v6 =	vsel vm5, $0xD00, v6;
	v7 =	vsel vm5, $0x1D00, v7  }
0x44: {  	v8 =	vsel vm5, $0x2900, v8;
	v9 =	vsel vm5, $0x2D00, v9;
	v10 =	vsel vm5, $0x3900, v10  }
0x45: {  	v11 =	vsel vm5, $0x3D00, v11;
	v12 =	vsel vm5, $0x4900, v12;
	v13 =	vsel vm5, $0x4D00, v13  }
0x46: {  	v16 =	vsel vm5, $0x5900, v16;
	v17 =	vsel vm5, $0x5D00, v17;
	v18 =	vsel vm5, $0x6900, v18  }
0x47: {  	v20 =	vsel vm5, $0x7900, v20;
	v21 =	vsel vm5, $0x6D00, v21;
	v22 =	vsel vm5, $0x7D00, v22  }
0x48: {  	v4 =	vsel vm4, $0x980, v2;
	v2 =	vmul.u32 $0x8, v3;
	v5 =	vsel vm4, $0x1980, v5  }
0x49: {  	v6 =	vsel vm4, $0xD80, v6;
	v7 =	vsel vm4, $0x1D80, v7;
	v8 =	vsel vm4, $0x2980, v8  }
0x4a: {  	v9 =	vsel vm4, $0x2D80, v9;
	v10 =	vsel vm4, $0x3980, v10;
	v11 =	vsel vm4, $0x3D80, v11  }
0x4b: {  	v12 =	vsel vm4, $0x4980, v12;
	v13 =	vsel vm4, $0x4D80, v13;
	v16 =	vsel vm4, $0x5980, v16  }
0x4c: {  	v17 =	vsel vm4, $0x5D80, v17;
	v18 =	vsel vm4, $0x6980, v18;
	v20 =	vsel vm4, $0x7980, v20  }
0x4d: {  	v21 =	vsel vm4, $0x6D80, v21;
	v22 =	vsel vm4, $0x7D80, v22;
	v3 =	vsel vm3, $0xA00, v4  }
0x4e: {  	v5 =	vsel vm3, $0x1A00, v5;
	v6 =	vsel vm3, $0xE00, v6;
	v7 =	vsel vm3, $0x1E00, v7  }
0x4f: {  	s1 =	rddreg [dreg:$0x0];
	v8 =	vsel vm3, $0x2A00, v8;
	v9 =	vsel vm3, $0x2E00, v9;
	v10 =	vsel vm3, $0x3A00, v10  }
0x50: {  	s0 =	rddreg [dreg:$0x1];
	v11 =	vsel vm3, $0x3E00, v11;
	v16 =	vsel vm3, $0x5A00, v16;
	v17 =	vsel vm3, $0x5E00, v17  }
0x51: {  	s2 =	rddreg [dreg:$0x3];
	s4 =	simm.s32 $0x0;
	s3 =	srdreg.scid;
	v18 =	vsel vm3, $0x6A00, v18;
	v20 =	vsel vm3, $0x7A00, v20;
	v21 =	vsel vm3, $0x6E00, v21  }
0x52: {  	s5 =	stileid.u32;
	s8 =	simm.s32 $0x3;
	s9 =	simm.s32 $0x100;
	v22 =	vsel vm3, $0x7E00, v22;
	v4 =	vsel vm2, $0xA80, v3;
	v3 =	vor.u32 $0x8, v0  }
0x53: {  	s19 =	simm.s32 $0x5100;
	s21 =	simm.s32 $0x6100;
	s22 =	simm.s32 $0x6900;
	v5 =	vsel vm2, $0x1A80, v5;
	v6 =	vsel vm2, $0xE80, v6;
	v7 =	vsel vm2, $0x1E80, v7  }
0x54: {  	s23 =	simm.s32 $0x7100;
	s24 =	simm.s32 $0x7900;
	s25 =	simm.s32 $0x8100;
	v8 =	vsel vm2, $0x2A80, v8;
	v9 =	vsel vm2, $0x2E80, v9;
	v10 =	vsel vm2, $0x3A80, v10  }
0x55: {  	s26 =	simm.s32 $0x8900;
	s28 =	simm.s32 $0x9100;
	s29 =	simm.s32 $0x9900;
	v14 =	vsel vm2, $0x3E80, v11;
	v11 =	vsel vm3, $0x4A00, v12;
	v12 =	vsel vm3, $0x4E00, v13  }
0x56: {  	s30 =	simm.s32 $0xA100;
	s31 =	simm.s32 $0xA900;
	s10 =	simm.s32 $0xC900;
	v16 =	vsel vm2, $0x5A80, v16;
	v17 =	vsel vm2, $0x5E80, v17;
	v18 =	vsel vm2, $0x6A80, v18  }
0x57: {  	s11 =	simm.s32 $0x30;
	s12 =	simm.s32 $0xD0;
	s13 =	simm.s32 $0xD100;
	v20 =	vsel vm2, $0x7A80, v20;
	v21 =	vsel vm2, $0x6E80, v21;
	v22 =	vsel vm2, $0x7E80, v22  }
0x58: {  	s14 =	simm.s32 $0x1;
	s15 =	simm.s32 $0x2;
	s16 =	simm.s32 $0xE900;
	v4 =	vsel vm1, $0xB00, v4;
	v5 =	vsel vm1, $0x1B00, v5;
	v6 =	vsel vm1, $0xF00, v6  }
0x59: {  	s17 =	simm.s32 $0x0;
	s3 =	sand.u32 $0x1, s3;
	s5 =	sshll.u32 s5, $0x1;
	v7 =	vsel vm1, $0x1F00, v7;
	v8 =	vsel vm1, $0x2B00, v8;
	v9 =	vsel vm1, $0x2F00, v9  }
0x5a: {  	[smem:$0x7FF] =	sst s4;
	s5 =	sor.u32 s3, s5;
	s3 =	ssub.s32 $0x2, s3;
	v10 =	vsel vm1, $0x3B00, v10;
	v13 =	vsel vm2, $0x4A80, v11;
	v15 =	vsel vm2, $0x4E80, v12  }
0x5b: {  	_ =	strace $0x80000047;
	s6 =	sshll.u32 s5, $0x7;
	s7 =	sshrl.u32 s3, $0x1;
	v11 =	vmul.u32 $0x80, v0;
	v12 =	vsel vm1, $0x3F00, v14;
	v16 =	vsel vm1, $0x5B00, v16  }
0x5c: {  	s5 =	sshll.u32 s5, $0x5;
	s2 =	sadd.s32 s6, s2;
	s3 =	ssub.s32 s3, s7;
	v17 =	vsel vm1, $0x5F00, v17;
	v18 =	vsel vm1, $0x6B00, v18;
	v20 =	vsel vm1, $0x7B00, v20  }
0x5d: {  	s5 =	sadd.s32 s1, s5;
	s1 =	simm.s32 $0xC100;
	s6 =	sadd.s32 $0x600, s2;
	v21 =	vsel vm1, $0x6F00, v21;
	v22 =	vsel vm1, $0x7F00, v22;
	v13 =	vsel vm1, $0x4B00, v13  }
0x5e: {  	s7 =	smax.u32 s3, $0x1;
	s2 =	simm.s32 $0xB100;
	s3 =	simm.s32 $0xB900;
	v14 =	vsel vm1, $0x4F00, v15;
	v15 =	vor.u32 $0x800, v11;
	v19 =	vor.u32 $0x1000, v11  }
.LBB2_1:
0x5f: {  	[tilespmem:s4], [sflag:$0x3] =	stream.linear.gather [hbm4b:s5+s4], $0x100, $0x38;
	[tilespmem:$0xED00] =	vst v63  }
0x60: {  	_ =	swait.ge [sflag:s8], $0x100  }
0x61: {  	[sflag:s8] =	ssyncset.done $0x0  }
0x62: {  	[sflag:s8] =	ssyncadd.s32 $0xFFFFFF00  }
0x63: {  	v24 =	vld [tilespmem:$0x0];
	_ =	sdelay $0x4  }
0x64: {  	v25 =	vshll.u32 v24, $0x1  }
0x65: {  	v24 =	vand.u32 $0x7, v24;
	v25 =	vand.u32 $0xFFFFFFF0, v25  }
0x66: {  	v24 =	vor.u32 v24, v25  }
0x67: {  	v25 =	vperm.xlane v24, v1;
	_ =	sdelay $0x1  }
0x68: {  	v24 =	vperm.xlane v24, v3;
	v25 =	vadd.s32 v2, v25;
	_ =	sdelay $0x1  }
0x69: {  	v24 =	vadd.s32 v2, v24;
	_ =	sdelay $0x2  }
0x6a: {  	[tilespmem:s9], [sflag:$0x1] =	stream.indirect_vreg.gather [hbm4b:s0+s4], $0x80, v25, vm0, $0xb8;
	[tilespmem:$0xED00] =	vst v63  }
0x6b: {  	s18 =	simm.s32 $0x900  }
0x6c: {  	[tilespmem:s18], [sflag:$0x1] =	stream.indirect_vreg.gather [hbm4b:s0+s4], $0x80, v24, vm0, $0xb8;
	[tilespmem:$0xED00] =	vst v63  }
0x6d: {  	v24 =	vld [tilespmem:$0x10];
	_ =	sdelay $0x4  }
0x6e: {  	v25 =	vshll.u32 v24, $0x1  }
0x6f: {  	v24 =	vand.u32 $0x7, v24;
	v25 =	vand.u32 $0xFFFFFFF0, v25  }
0x70: {  	v24 =	vor.u32 v24, v25  }
0x71: {  	v25 =	vperm.xlane v24, v1;
	_ =	sdelay $0x1  }
0x72: {  	v24 =	vperm.xlane v24, v3;
	v25 =	vadd.s32 v2, v25;
	_ =	sdelay $0x1  }
0x73: {  	v24 =	vadd.s32 v2, v24;
	_ =	sdelay $0x1  }
0x74: {  	s20 =	simm.s32 $0x1100  }
0x75: {  	[tilespmem:s20], [sflag:$0x1] =	stream.indirect_vreg.gather [hbm4b:s0+s4], $0x80, v25, vm0, $0xb8;
	[tilespmem:$0xED00] =	vst v63  }
0x76: {  	s20 =	simm.s32 $0x1900  }
0x77: {  	[tilespmem:s20], [sflag:$0x1] =	stream.indirect_vreg.gather [hbm4b:s0+s4], $0x80, v24, vm0, $0xb8;
	[tilespmem:$0xED00] =	vst v63  }
0x78: {  	v24 =	vld [tilespmem:$0x20];
	_ =	sdelay $0x4  }
0x79: {  	v25 =	vshll.u32 v24, $0x1  }
0x7a: {  	v24 =	vand.u32 $0x7, v24;
	v25 =	vand.u32 $0xFFFFFFF0, v25  }
0x7b: {  	v24 =	vor.u32 v24, v25  }
0x7c: {  	v25 =	vperm.xlane v24, v1;
	_ =	sdelay $0x1  }
0x7d: {  	v24 =	vperm.xlane v24, v3;
	v25 =	vadd.s32 v2, v25;
	_ =	sdelay $0x1  }
0x7e: {  	v24 =	vadd.s32 v2, v24;
	_ =	sdelay $0x1  }
0x7f: {  	s20 =	simm.s32 $0x2100  }
0x80: {  	[tilespmem:s20], [sflag:$0x1] =	stream.indirect_vreg.gather [hbm4b:s0+s4], $0x80, v25, vm0, $0xb8;
	[tilespmem:$0xED00] =	vst v63  }
0x81: {  	s20 =	simm.s32 $0x2900  }
0x82: {  	[tilespmem:s20], [sflag:$0x1] =	stream.indirect_vreg.gather [hbm4b:s0+s4], $0x80, v24, vm0, $0xb8;
	[tilespmem:$0xED00] =	vst v63  }
0x83: {  	v24 =	vld [tilespmem:$0x30];
	_ =	sdelay $0x4  }
0x84: {  	v25 =	vshll.u32 v24, $0x1  }
0x85: {  	v24 =	vand.u32 $0x7, v24;
	v25 =	vand.u32 $0xFFFFFFF0, v25  }
0x86: {  	v24 =	vor.u32 v24, v25  }
0x87: {  	v25 =	vperm.xlane v24, v1;
	_ =	sdelay $0x1  }
0x88: {  	v24 =	vperm.xlane v24, v3;
	v25 =	vadd.s32 v2, v25;
	_ =	sdelay $0x1  }
0x89: {  	v24 =	vadd.s32 v2, v24;
	_ =	sdelay $0x1  }
0x8a: {  	s20 =	simm.s32 $0x3100  }
0x8b: {  	[tilespmem:s20], [sflag:$0x1] =	stream.indirect_vreg.gather [hbm4b:s0+s4], $0x80, v25, vm0, $0xb8;
	[tilespmem:$0xED00] =	vst v63  }
0x8c: {  	s20 =	simm.s32 $0x3900  }
0x8d: {  	[tilespmem:s20], [sflag:$0x1] =	stream.indirect_vreg.gather [hbm4b:s0+s4], $0x80, v24, vm0, $0xb8;
	[tilespmem:$0xED00] =	vst v63  }
0x8e: {  	v24 =	vld [tilespmem:$0x40];
	_ =	sdelay $0x4  }
0x8f: {  	v25 =	vshll.u32 v24, $0x1  }
0x90: {  	v24 =	vand.u32 $0x7, v24;
	v25 =	vand.u32 $0xFFFFFFF0, v25  }
0x91: {  	v24 =	vor.u32 v24, v25  }
0x92: {  	v25 =	vperm.xlane v24, v1;
	_ =	sdelay $0x1  }
0x93: {  	v24 =	vperm.xlane v24, v3;
	v25 =	vadd.s32 v2, v25;
	_ =	sdelay $0x1  }
0x94: {  	v24 =	vadd.s32 v2, v24;
	_ =	sdelay $0x1  }
0x95: {  	s20 =	simm.s32 $0x4100  }
0x96: {  	[tilespmem:s20], [sflag:$0x1] =	stream.indirect_vreg.gather [hbm4b:s0+s4], $0x80, v25, vm0, $0xb8;
	[tilespmem:$0xED00] =	vst v63  }
0x97: {  	s20 =	simm.s32 $0x4900  }
0x98: {  	[tilespmem:s20], [sflag:$0x1] =	stream.indirect_vreg.gather [hbm4b:s0+s4], $0x80, v24, vm0, $0xb8;
	[tilespmem:$0xED00] =	vst v63  }
0x99: {  	v24 =	vld [tilespmem:$0x50];
	_ =	sdelay $0x4  }
0x9a: {  	v25 =	vshll.u32 v24, $0x1  }
0x9b: {  	v24 =	vand.u32 $0x7, v24;
	v25 =	vand.u32 $0xFFFFFFF0, v25  }
0x9c: {  	v24 =	vor.u32 v24, v25  }
0x9d: {  	v25 =	vperm.xlane v24, v1;
	_ =	sdelay $0x1  }
0x9e: {  	v24 =	vperm.xlane v24, v3;
	v25 =	vadd.s32 v2, v25;
	_ =	sdelay $0x1  }
0x9f: {  	v24 =	vadd.s32 v2, v24;
	_ =	sdelay $0x2  }
0xa0: {  	[tilespmem:s19], [sflag:$0x2] =	stream.indirect_vreg.gather [hbm4b:s0+s4], $0x80, v25, vm0, $0xb8;
	[tilespmem:$0xED00] =	vst v63  }
0xa1: {  	s20 =	simm.s32 $0x5900  }
0xa2: {  	[tilespmem:s20], [sflag:$0x2] =	stream.indirect_vreg.gather [hbm4b:s0+s4], $0x80, v24, vm0, $0xb8;
	[tilespmem:$0xED00] =	vst v63  }
0xa3: {  	v24 =	vld [tilespmem:$0x60];
	_ =	sdelay $0x4  }
0xa4: {  	v25 =	vshll.u32 v24, $0x1  }
0xa5: {  	v24 =	vand.u32 $0x7, v24;
	v25 =	vand.u32 $0xFFFFFFF0, v25  }
0xa6: {  	v24 =	vor.u32 v24, v25  }
0xa7: {  	v25 =	vperm.xlane v24, v1;
	_ =	sdelay $0x1  }
0xa8: {  	v24 =	vperm.xlane v24, v3;
	v25 =	vadd.s32 v2, v25;
	_ =	sdelay $0x1  }
0xa9: {  	v24 =	vadd.s32 v2, v24;
	_ =	sdelay $0x2  }
0xaa: {  	[tilespmem:s21], [sflag:$0x2] =	stream.indirect_vreg.gather [hbm4b:s0+s4], $0x80, v25, vm0, $0xb8;
	[tilespmem:$0xED00] =	vst v63  }
0xab: {  	_ = 	snop  }
0xac: {  	[tilespmem:s22], [sflag:$0x2] =	stream.indirect_vreg.gather [hbm4b:s0+s4], $0x80, v24, vm0, $0xb8;
	[tilespmem:$0xED00] =	vst v63  }
0xad: {  	v24 =	vld [tilespmem:$0x70];
	_ =	sdelay $0x4  }
0xae: {  	v25 =	vshll.u32 v24, $0x1  }
0xaf: {  	v24 =	vand.u32 $0x7, v24;
	v25 =	vand.u32 $0xFFFFFFF0, v25  }
0xb0: {  	v24 =	vor.u32 v24, v25  }
0xb1: {  	v25 =	vperm.xlane v24, v1;
	_ =	sdelay $0x1  }
0xb2: {  	v24 =	vperm.xlane v24, v3;
	v25 =	vadd.s32 v2, v25;
	_ =	sdelay $0x1  }
0xb3: {  	v24 =	vadd.s32 v2, v24;
	_ =	sdelay $0x2  }
0xb4: {  	[tilespmem:s23], [sflag:$0x2] =	stream.indirect_vreg.gather [hbm4b:s0+s4], $0x80, v25, vm0, $0xb8;
	[tilespmem:$0xED00] =	vst v63  }
0xb5: {  	_ = 	snop  }
0xb6: {  	[tilespmem:s24], [sflag:$0x2] =	stream.indirect_vreg.gather [hbm4b:s0+s4], $0x80, v24, vm0, $0xb8;
	[tilespmem:$0xED00] =	vst v63  }
0xb7: {  	v24 =	vld [tilespmem:$0x80];
	_ =	sdelay $0x4  }
0xb8: {  	v25 =	vshll.u32 v24, $0x1  }
0xb9: {  	v24 =	vand.u32 $0x7, v24;
	v25 =	vand.u32 $0xFFFFFFF0, v25  }
0xba: {  	v24 =	vor.u32 v24, v25  }
0xbb: {  	v25 =	vperm.xlane v24, v1;
	_ =	sdelay $0x1  }
0xbc: {  	v24 =	vperm.xlane v24, v3;
	v25 =	vadd.s32 v2, v25;
	_ =	sdelay $0x1  }
0xbd: {  	v24 =	vadd.s32 v2, v24;
	_ =	sdelay $0x2  }
0xbe: {  	[tilespmem:s25], [sflag:$0x2] =	stream.indirect_vreg.gather [hbm4b:s0+s4], $0x80, v25, vm0, $0xb8;
	[tilespmem:$0xED00] =	vst v63  }
0xbf: {  	_ = 	snop  }
0xc0: {  	[tilespmem:s26], [sflag:$0x2] =	stream.indirect_vreg.gather [hbm4b:s0+s4], $0x80, v24, vm0, $0xb8;
	[tilespmem:$0xED00] =	vst v63  }
0xc1: {  	v24 =	vld [tilespmem:$0x90];
	_ =	sdelay $0x4  }
0xc2: {  	v25 =	vshll.u32 v24, $0x1  }
0xc3: {  	v24 =	vand.u32 $0x7, v24;
	v25 =	vand.u32 $0xFFFFFFF0, v25  }
0xc4: {  	v24 =	vor.u32 v24, v25  }
0xc5: {  	v25 =	vperm.xlane v24, v1;
	_ =	sdelay $0x1  }
0xc6: {  	v24 =	vperm.xlane v24, v3;
	v25 =	vadd.s32 v2, v25;
	_ =	sdelay $0x1  }
0xc7: {  	v24 =	vadd.s32 v2, v24;
	_ =	sdelay $0x2  }
0xc8: {  	[tilespmem:s28], [sflag:$0x2] =	stream.indirect_vreg.gather [hbm4b:s0+s4], $0x80, v25, vm0, $0xb8;
	[tilespmem:$0xED00] =	vst v63  }
0xc9: {  	_ = 	snop  }
0xca: {  	[tilespmem:s29], [sflag:$0x2] =	stream.indirect_vreg.gather [hbm4b:s0+s4], $0x80, v24, vm0, $0xb8;
	[tilespmem:$0xED00] =	vst v63  }
0xcb: {  	v24 =	vld [tilespmem:$0xA0];
	_ =	sdelay $0x4  }
0xcc: {  	v25 =	vshll.u32 v24, $0x1  }
0xcd: {  	v24 =	vand.u32 $0x7, v24;
	v25 =	vand.u32 $0xFFFFFFF0, v25  }
0xce: {  	v24 =	vor.u32 v24, v25  }
0xcf: {  	v25 =	vperm.xlane v24, v1;
	_ =	sdelay $0x1  }
0xd0: {  	v24 =	vperm.xlane v24, v3;
	v25 =	vadd.s32 v2, v25;
	_ =	sdelay $0x1  }
0xd1: {  	v24 =	vadd.s32 v2, v24;
	_ =	sdelay $0x2  }
0xd2: {  	[tilespmem:s30], [sflag:$0x2] =	stream.indirect_vreg.gather [hbm4b:s0+s4], $0x80, v25, vm0, $0xb8;
	[tilespmem:$0xED00] =	vst v63  }
0xd3: {  	_ = 	snop  }
0xd4: {  	[tilespmem:s31], [sflag:$0x2] =	stream.indirect_vreg.gather [hbm4b:s0+s4], $0x80, v24, vm0, $0xb8;
	[tilespmem:$0xED00] =	vst v63  }
0xd5: {  	v24 =	vld [tilespmem:$0xB0];
	_ =	sdelay $0x4  }
0xd6: {  	v25 =	vshll.u32 v24, $0x1  }
0xd7: {  	v24 =	vand.u32 $0x7, v24;
	v25 =	vand.u32 $0xFFFFFFF0, v25  }
0xd8: {  	v24 =	vor.u32 v24, v25  }
0xd9: {  	v25 =	vperm.xlane v24, v1;
	_ =	sdelay $0x1  }
0xda: {  	v24 =	vperm.xlane v24, v3;
	v25 =	vadd.s32 v2, v25;
	_ =	sdelay $0x1  }
0xdb: {  	v24 =	vadd.s32 v2, v24;
	_ =	sdelay $0x2  }
0xdc: {  	[tilespmem:s2], [sflag:$0x2] =	stream.indirect_vreg.gather [hbm4b:s0+s4], $0x80, v25, vm0, $0xb8;
	[tilespmem:$0xED00] =	vst v63  }
0xdd: {  	_ = 	snop  }
0xde: {  	[tilespmem:s3], [sflag:$0x2] =	stream.indirect_vreg.gather [hbm4b:s0+s4], $0x80, v24, vm0, $0xb8;
	[tilespmem:$0xED00] =	vst v63  }
0xdf: {  	v24 =	vld [tilespmem:$0xC0];
	_ =	sdelay $0x4  }
0xe0: {  	v25 =	vshll.u32 v24, $0x1  }
0xe1: {  	v24 =	vand.u32 $0x7, v24;
	v25 =	vand.u32 $0xFFFFFFF0, v25  }
0xe2: {  	v24 =	vor.u32 v24, v25  }
0xe3: {  	v25 =	vperm.xlane v24, v1;
	_ =	sdelay $0x1  }
0xe4: {  	v24 =	vperm.xlane v24, v3;
	v25 =	vadd.s32 v2, v25;
	_ =	sdelay $0x1  }
0xe5: {  	v24 =	vadd.s32 v2, v24;
	_ =	sdelay $0x2  }
0xe6: {  	[tilespmem:s1], [sflag:$0x2] =	stream.indirect_vreg.gather [hbm4b:s0+s4], $0x80, v25, vm0, $0xb8;
	[tilespmem:$0xED00] =	vst v63  }
0xe7: {  	v25 =	vadd.s32 s4, v0  }
0xe8: {  	[tilespmem:s10], [sflag:$0x2] =	stream.indirect_vreg.gather [hbm4b:s0+s4], $0x80, v24, vm0, $0xb8;
	v24 =	vand.u32 $0x7F, v25;
	[tilespmem:$0xED00] =	vst v63  }
0xe9: {  	s20 =	rddreg [dreg:$0x2];
	v25 =	vor.u32 v9, v24  }
0xea: {  	v26 =	vor.u32 v8, v24;
	[tilespmem:s13], [sflag:$0x2] =	stream.indirect.gather [hbm4b:s20+s11], $0x80, s12, s11, $0xb8;
	[tilespmem:$0xED00] =	vst v63  }
0xeb: {  	v27 =	vor.u32 v4, v24;
	_ =	swait.ge [sflag:s14], $0x5000  }
0xec: {  	v30 =	vor.u32 v5, v24;
	[sflag:s14] =	ssyncset.done $0x0  }
0xed: {  	v31 =	vor.u32 v6, v24;
	[sflag:s14] =	ssyncadd.s32 $0xFFFFB000  }
0xee: {  	v32 =	vor.u32 v7, v24;
	v25 =	vld.idx.msk [tilespmem:v25+s9+$0x0], $0xffff  }
0xef: {  	v28 =	vor.u32 v12, v24;
	s20 =	simm.s32 $0x1;
	v26 =	vld.idx.msk [tilespmem:v26+s9+$0x0], $0xffff  }
0xf0: {  	v29 =	vor.u32 v10, v24;
	v33 =	vadd.s32 s20, v0;
	v27 =	vld.idx.msk [tilespmem:v27+s9+$0x0], $0xffff  }
0xf1: {  	v33 =	vand.u32 $0x7F, v33;
	v30 =	vld.idx.msk [tilespmem:v30+s9+$0x0], $0xffff  }
0xf2: {  	v35 =	vor.u32 v9, v33;
	v31 =	vld.idx.msk [tilespmem:v31+s9+$0x0], $0xffff  }
0xf3: {  	v36 =	vor.u32 v8, v33;
	v32 =	vld.idx.msk [tilespmem:v32+s9+$0x0], $0xffff  }
0xf4: {  	v34 =	vor.u32 v14, v24;
	v28 =	vld.idx.msk [tilespmem:v28+s9+$0x0], $0xffff  }
0xf5: {  	v24 =	vor.u32 v13, v24;
	v39 =	vor.u32 v12, v33;
	v29 =	vld.idx.msk [tilespmem:v29+s9+$0x0], $0xffff  }
0xf6: {  	v40 =	vor.u32 v10, v33;
	v38 =	vor.u32 v4, v33;
	v42 =	vor.u32 v5, v33  }
0xf7: {  	v41 =	vor.u32 v6, v33;
	v43 =	vor.u32 v7, v33;
	v35 =	vld.idx.msk [tilespmem:v35+s9+$0x0], $0xffff;
	v25 =	vand.u32 $0x7FFFFFFF, v25  }
0xf8: {  	v36 =	vld.idx.msk [tilespmem:v36+s9+$0x0], $0xffff;
	v27 =	vsub.f32 v27, v30;
	v31 =	vand.u32 $0x7FFFFFFF, v31;
	v32 =	vand.u32 $0x7FFFFFFF, v32  }
0xf9: {  	v30 =	vld.idx.msk [tilespmem:v34+s9+$0x0], $0xffff;
	v37 =	vsub.f32 v26, v25;
	v26 =	vadd.f32 v25, v26;
	v25 =	vand.u32 $0x7FFFFFFF, v28  }
0xfa: {  	v28 =	vsub.f32 v29, v25;
	v29 =	vadd.f32 v25, v29;
	v27 =	vand.u32 $0x7FFFFFFF, v27  }
0xfb: {  	v24 =	vld.idx.msk [tilespmem:v24+s9+$0x0], $0xffff;
	v25 =	vor.u32 v13, v33;
	v33 =	vor.u32 v14, v33;
	v27 =	vadd.f32 v31, v27  }
0xfc: {  	s20 =	simm.s32 $0x2;
	v62 =	vmax.f32 v37, v28;
	v26 =	vmin.f32 v26, v29;
	v28 =	vld.idx.msk [tilespmem:v38+s9+$0x0], $0xffff;
	v31 =	vand.u32 $0x7FFFFFFF, v35  }
0xfd: {  	v37 =	vld.idx.msk [tilespmem:v42+s9+$0x0], $0xffff;
	v42 =	vadd.s32 s20, v0;
	v38 =	vsub.f32 v62, v26;
	v26 =	vadd.f32 v26, v62  }
0xfe: {  	v34 =	vld.idx.msk [tilespmem:v39+s9+$0x0], $0xffff;
	v27 =	vsub.f32 v27, v32;
	v32 =	vand.u32 $0x7FFFFFFF, v30;
	v35 =	vsub.f32 v36, v31  }
0xff: {  	v29 =	vld.idx.msk [tilespmem:v40+s9+$0x0], $0xffff;
	v31 =	vadd.f32 v31, v36;
	v26 =	vmul.f32 $5.000000000e-01, v26;
	v63 =	vand.u32 $0x7FFFFFFF, v38  }
0x100: {  	v30 =	vld.idx.msk [tilespmem:v41+s9+$0x0], $0xffff;
	v41 =	vmax.f32 v27, $0.0e+00;
	v27 =	vimm.f32 $0.0e+00;
	v39 =	vmul.f32 $5.000000000e-01, v63  }
0x101: {  	s18 =	simm.s32 $0x3;
	v36 =	vld.idx.msk [tilespmem:v43+s9+$0x0], $0xffff;
	v40 =	vsub.f32 v26, v24;
	v26 =	vimm.f32 $0.0e+00;
	v24 =	vimm.f32 $0.0e+00  }
.LBB2_2:
0x102: {  	p0 =	sne.s32 s18, $0x7F;
	v42 =	vand.u32 $0x7F, v42;
	v41 =	vmul.f32 v41, v41;
	v38 =	vmax.f32 v38, $0.0e+00;
	s20 =	smov.u32 s18;
	s18 =	sadd.s32 $0x1, s18  }
0x103: {  	v43 =	vor.u32 v9, v42;
	v44 =	vor.u32 v12, v42;
	v38 =	vmul.f32 v38, v38  }
0x104: {  	v45 =	vor.u32 v8, v42;
	v46 =	vor.u32 v10, v42;
	v40 =	vand.u32 $0x7FFFFFFF, v40  }
0x105: {  	v34 =	vand.u32 $0x7FFFFFFF, v34;
	v47 =	vor.u32 v4, v42;
	v39 =	vadd.f32 v40, v39  }
0x106: {  	v40 =	vor.u32 v5, v42;
	v28 =	vsub.f32 v28, v37;
	v37 =	vld.idx.msk [tilespmem:v33+s9+$0x0], $0xffff;
	v33 =	vsub.f32 v29, v34  }
0x107: {  	v30 =	vand.u32 $0x7FFFFFFF, v30;
	v48 =	vor.u32 v6, v42;
	v32 =	vsub.f32 v39, v32;
	v49 =	vld.idx.msk [tilespmem:v25+s9+$0x0], $0xffff  }
0x108: {  	v36 =	vand.u32 $0x7FFFFFFF, v36;
	v39 =	vld.idx.msk [tilespmem:v43+s9+$0x0], $0xffff;
	v43 =	vand.u32 $0x7FFFFFFF, v28;
	v35 =	vmax.f32 v35, v33  }
0x109: {  	v29 =	vadd.f32 v34, v29;
	v25 =	vor.u32 v13, v42;
	v32 =	vmax.f32 v32, $0.0e+00;
	v45 =	vld.idx.msk [tilespmem:v45+s9+$0x0], $0xffff  }
0x10a: {  	v43 =	vadd.f32 v30, v43;
	v50 =	vmul.f32 v32, v32;
	v28 =	vld.idx.msk [tilespmem:v47+s9+$0x0], $0xffff;
	v47 =	vor.u32 v7, v42  }
0x10b: {  	v26 =	vadd.f32 v41, v26;
	v27 =	vadd.f32 v38, v27;
	v29 =	vmin.f32 v31, v29;
	v34 =	vld.idx.msk [tilespmem:v44+s9+$0x0], $0xffff  }
.Ltmp0:
0x10c: {  	v33 =	vor.u32 v14, v42;
	v38 =	vsub.f32 v35, v29;
	v31 =	vadd.f32 v29, v35;
	v30 =	vld.idx.msk [tilespmem:v48+s9+$0x0], $0xffff;
	(pc) =	sbr.rel @p0 .LBB2_2-.Ltmp0, $4  }
0x10d: {  	v41 =	vsub.f32 v43, v36;
	v32 =	vand.u32 $0x7FFFFFFF, v37;
	v24 =	vadd.f32 v50, v24;
	v29 =	vld.idx.msk [tilespmem:v46+s9+$0x0], $0xffff  }
0x10e: {  	v43 =	vmul.f32 $5.000000000e-01, v31;
	v31 =	vand.u32 $0x7FFFFFFF, v38;
	v37 =	vld.idx.msk [tilespmem:v40+s9+$0x0], $0xffff;
	v40 =	vand.u32 $0x7FFFFFFF, v39  }
0x10f: {  	v41 =	vmax.f32 v41, $0.0e+00;
	v39 =	vmul.f32 $5.000000000e-01, v31;
	v36 =	vld.idx.msk [tilespmem:v47+s9+$0x0], $0xffff;
	v35 =	vsub.f32 v45, v40  }
0x110: {  	v42 =	vadd.s32 s20, v0;
	v31 =	vadd.f32 v40, v45;
	v40 =	vsub.f32 v43, v49  }
0x111: {  	v42 =	vand.u32 $0x7F, v42  }
0x112: {  	v41 =	vmul.f32 v41, v41;
	v38 =	vmax.f32 v38, $0.0e+00;
	v34 =	vand.u32 $0x7FFFFFFF, v34  }
0x113: {  	v30 =	vand.u32 $0x7FFFFFFF, v30;
	v43 =	vor.u32 v9, v42;
	v44 =	vor.u32 v12, v42  }
0x114: {  	v38 =	vmul.f32 v38, v38;
	v45 =	vor.u32 v8, v42;
	v46 =	vor.u32 v10, v42  }
0x115: {  	v40 =	vand.u32 $0x7FFFFFFF, v40;
	v47 =	vor.u32 v4, v42;
	v58 =	vor.u32 v5, v42  }
0x116: {  	v33 =	vld.idx.msk [tilespmem:v33+s9+$0x0], $0xffff;
	v59 =	vsub.f32 v29, v34;
	v48 =	vor.u32 v6, v42;
	v29 =	vadd.f32 v34, v29  }
0x117: {  	v25 =	vld.idx.msk [tilespmem:v25+s9+$0x0], $0xffff;
	v61 =	vor.u32 v13, v42;
	v63 =	vor.u32 v7, v42;
	v39 =	vadd.f32 v40, v39  }
0x118: {  	v50 =	vor.u32 v14, v42;
	v28 =	vsub.f32 v28, v37;
	v26 =	vadd.f32 v41, v26;
	v60 =	vld.idx.msk [tilespmem:v43+s9+$0x0], $0xffff  }
0x119: {  	v35 =	vmax.f32 v35, v59;
	v29 =	vmin.f32 v31, v29;
	v32 =	vsub.f32 v39, v32;
	v62 =	vld.idx.msk [tilespmem:v45+s9+$0x0], $0xffff  }
0x11a: {  	v28 =	vand.u32 $0x7FFFFFFF, v28;
	v49 =	vadd.f32 v29, v35;
	v29 =	vsub.f32 v35, v29;
	v31 =	vld.idx.msk [tilespmem:v47+s9+$0x0], $0xffff  }
0x11b: {  	v36 =	vand.u32 $0x7FFFFFFF, v36;
	v27 =	vadd.f32 v38, v27;
	v28 =	vadd.f32 v30, v28;
	v44 =	vld.idx.msk [tilespmem:v44+s9+$0x0], $0xffff  }
0x11c: {  	s18 =	simm.s32 $0x0;
	v33 =	vand.u32 $0x7FFFFFFF, v33;
	v32 =	vmax.f32 v32, $0.0e+00;
	v51 =	vld.idx.msk [tilespmem:v48+s9+$0x0], $0xffff;
	v54 =	vand.u32 $0x7FFFFFFF, v29  }
0x11d: {  	v29 =	vmax.f32 v29, $0.0e+00;
	v37 =	vld.idx.msk [tilespmem:v61+s9+$0x0], $0xffff;
	v61 =	vadd.s32 s18, v0;
	v30 =	vmul.f32 v32, v32  }
0x11e: {  	v52 =	vld.idx.msk [tilespmem:v46+s9+$0x0], $0xffff;
	v28 =	vsub.f32 v28, v36;
	v32 =	vmul.f32 $5.000000000e-01, v49;
	v39 =	vand.u32 $0x7F, v61  }
0x11f: {  	v57 =	vld.idx.msk [tilespmem:v63+s9+$0x0], $0xffff;
	v56 =	vmul.f32 $5.000000000e-01, v54;
	v29 =	vmul.f32 v29, v29;
	v63 =	vor.u32 v11, v39  }
0x120: {  	v53 =	vld.idx.msk [tilespmem:v58+s9+$0x0], $0xffff;
	v46 =	vor.u32 v8, v39;
	v47 =	vor.u32 v13, v39;
	v48 =	vor.u32 v4, v39  }
0x121: {  	v49 =	vor.u32 v15, v39;
	v61 =	vor.u32 v17, v39;
	v24 =	vadd.f32 v30, v24  }
0x122: {  	v25 =	vsub.f32 v32, v25;
	v27 =	vadd.f32 v29, v27;
	v30 =	vand.u32 $0x7FFFFFFF, v60  }
0x123: {  	v59 =	vld.idx.msk [tilespmem:v50+s9+$0x0], $0xffff;
	_ =	swait.ge [sflag:s15], $0x8000;
	v58 =	vand.u32 $0x7FFFFFFF, v44;
	v55 =	vsub.f32 v62, v30;
	v30 =	vadd.f32 v30, v62  }
0x124: {  	[sflag:s15] =	ssyncset.done $0x0;
	v28 =	vmax.f32 v28, $0.0e+00;
	v60 =	vsub.f32 v52, v58;
	v35 =	vadd.f32 v58, v52  }
0x125: {  	[sflag:s15] =	ssyncadd.s32 $0xFFFF8000;
	v28 =	vmul.f32 v28, v28;
	v25 =	vand.u32 $0x7FFFFFFF, v25;
	v31 =	vsub.f32 v31, v53  }
0x126: {  	_ =	swait.ge [sflag:s15], $0x1800;
	v36 =	vand.u32 $0x7FFFFFFF, v57;
	v38 =	vmax.f32 v55, v60;
	v30 =	vmin.f32 v30, v35  }
0x127: {  	[sflag:s15] =	ssyncset.done $0x0;
	v53 =	vor.u32 v5, v39;
	v25 =	vadd.f32 v25, v56;
	v45 =	vadd.f32 v30, v38  }
0x128: {  	[sflag:s15] =	ssyncadd.s32 $0xFFFFE800;
	v57 =	vor.u32 v18, v39;
	v62 =	vand.u32 $0x7FFFFFFF, v51;
	v31 =	vand.u32 $0x7FFFFFFF, v31  }
0x129: {  	v40 =	vld.idx.msk [tilespmem:v46+s19+$0x0], $0xffff;
	v25 =	vsub.f32 v25, v33;
	v30 =	vsub.f32 v38, v30;
	v33 =	vmul.f32 $5.000000000e-01, v45  }
0x12a: {  	v51 =	vor.u32 v19, v39;
	v52 =	vor.u32 v6, v39;
	v54 =	vld.idx.msk [tilespmem:v48+s19+$0x0], $0xffff;
	v31 =	vadd.f32 v62, v31  }
0x12b: {  	v56 =	vor.u32 v16, v39;
	v34 =	vld.idx.msk [tilespmem:v49+s13+$0x0], $0xffff;
	v50 =	vand.u32 $0x7FFFFFFF, v30;
	v33 =	vsub.f32 v33, v37  }
0x12c: {  	v35 =	vld.idx.msk [tilespmem:v63+s13+$0x0], $0xffff;
	v25 =	vmax.f32 v25, $0.0e+00;
	v31 =	vsub.f32 v31, v36;
	v42 =	vmul.f32 $5.000000000e-01, v50  }
0x12d: {  	v26 =	vadd.f32 v28, v26;
	v49 =	vld.idx.msk [tilespmem:v57+s19+$0x0], $0xffff;
	v25 =	vmul.f32 v25, v25;
	v28 =	vand.u32 $0x7FFFFFFF, v33  }
0x12e: {  	v29 =	vand.u32 $0x7FFFFFFF, v59;
	v45 =	vld.idx.msk [tilespmem:v47+s19+$0x0], $0xffff;
	v31 =	vmax.f32 v31, $0.0e+00;
	v28 =	vadd.f32 v28, v42  }
0x12f: {  	v58 =	vld.idx.msk [tilespmem:v52+s19+$0x0], $0xffff;
	v25 =	vadd.f32 v25, v24;
	v24 =	vmul.f32 v31, v31;
	v31 =	vor.u32 v10, v39  }
0x130: {  	v62 =	vld.idx.msk [tilespmem:v56+s19+$0x0], $0xffff;
	v28 =	vsub.f32 v28, v29;
	v29 =	vmax.f32 v30, $0.0e+00;
	v30 =	vor.u32 v9, v39  }
0x131: {  	v55 =	vor.u32 v7, v39;
	v60 =	vor.u32 v20, v39;
	v33 =	vld.idx.msk [tilespmem:v53+s19+$0x0], $0xffff;
	v59 =	vmul.f32 v29, v29  }
0x132: {  	v50 =	vor.u32 v12, v39;
	v47 =	vsub.f32 v40, v34;
	v37 =	vld.idx.msk [tilespmem:v51+s13+$0x0], $0xffff;
	v53 =	vor.u32 v21, v39  }
0x133: {  	v44 =	vld.idx.msk [tilespmem:v61+s19+$0x0], $0xffff;
	v26 =	vadd.f32 v24, v26;
	v24 =	vadd.f32 v59, v27;
	v27 =	vor.u32 v14, v39  }
0x134: {  	s20 =	simm.s32 $0x1;
	v63 =	vadd.f32 v35, v54;
	v32 =	vand.u32 $0x7FFFFFFF, v58;
	v43 =	vld.idx.msk [tilespmem:v31+s19+$0x0], $0xffff;
	v28 =	vmax.f32 v28, $0.0e+00  }
0x135: {  	v52 =	vsub.f32 v45, v62;
	v28 =	vmul.f32 v28, v28;
	v41 =	vld.idx.msk [tilespmem:v30+s19+$0x0], $0xffff;
	v30 =	vadd.s32 s20, v0  }
0x136: {  	v29 =	vld.idx.msk [tilespmem:v55+s19+$0x0], $0xffff;
	v55 =	vor.u32 v22, v39;
	v48 =	vsub.f32 v63, v33;
	v31 =	vand.u32 $0x7F, v30  }
0x137: {  	v46 =	vld.idx.msk [tilespmem:v53+s19+$0x0], $0xffff;
	v53 =	vadd.f32 v37, v49;
	v25 =	vadd.f32 v28, v25;
	v42 =	vor.u32 v11, v31  }
0x138: {  	v28 =	vimm.f32 $0.0e+00;
	v30 =	vimm.f32 $0.0e+00;
	v39 =	vor.u32 v8, v31;
	v51 =	vld.idx.msk [tilespmem:v27+s19+$0x0], $0xffff  }
0x139: {  	v40 =	vld.idx.msk [tilespmem:v60+s19+$0x0], $0xffff;
	v36 =	vor.u32 v4, v31;
	v35 =	vor.u32 v15, v31;
	v54 =	vor.u32 v13, v31  }
0x13a: {  	v38 =	vld.idx.msk [tilespmem:v50+s19+$0x0], $0xffff;
	v34 =	vor.u32 v20, v31;
	v33 =	vor.u32 v5, v31;
	v50 =	vor.u32 v16, v31  }
0x13b: {  	s18 =	simm.s32 $0x2;
	v49 =	vld.idx.msk [tilespmem:v55+s19+$0x0], $0xffff;
	v37 =	vor.u32 v6, v31;
	v45 =	vor.u32 v18, v31;
	v27 =	vimm.f32 $0.0e+00  }
.LBB2_4:
0x13c: {  	p0 =	sne.s32 s18, $0x7F;
	v42 =	vld.idx.msk [tilespmem:v42+s13+$0x0], $0xffff;
	v55 =	vor.u32 v14, v31;
	v56 =	vor.u32 v19, v31;
	v43 =	vsub.f32 v47, v43;
	s20 =	smov.u32 s18;
	s18 =	sadd.s32 $0x1, s18  }
0x13d: {  	v47 =	vand.u32 $0x7FFFFFFF, v48;
	v41 =	vand.u32 $0x7FFFFFFF, v41;
	v48 =	vand.u32 $0x7FFFFFFF, v51;
	v39 =	vld.idx.msk [tilespmem:v39+s19+$0x0], $0xffff  }
0x13e: {  	v51 =	vor.u32 v10, v31;
	v52 =	vand.u32 $0x7FFFFFFF, v52;
	v44 =	vand.u32 $0x7FFFFFFF, v44;
	v54 =	vld.idx.msk [tilespmem:v54+s19+$0x0], $0xffff  }
0x13f: {  	v57 =	vor.u32 v7, v31;
	v40 =	vsub.f32 v53, v40;
	v43 =	vand.u32 $0x7FFFFFFF, v43;
	v36 =	vld.idx.msk [tilespmem:v36+s19+$0x0], $0xffff  }
0x140: {  	v53 =	vor.u32 v9, v31;
	v48 =	vsub.f32 v52, v48;
	v46 =	vand.u32 $0x7FFFFFFF, v46;
	v35 =	vld.idx.msk [tilespmem:v35+s13+$0x0], $0xffff  }
0x141: {  	v52 =	vor.u32 v12, v31;
	v40 =	vand.u32 $0x7FFFFFFF, v40;
	v49 =	vand.u32 $0x7FFFFFFF, v49;
	v56 =	vld.idx.msk [tilespmem:v56+s13+$0x0], $0xffff  }
0x142: {  	v38 =	vand.u32 $0x7FFFFFFF, v38;
	v44 =	vsub.f32 v48, v44;
	v40 =	vsub.f32 v40, v46;
	v37 =	vld.idx.msk [tilespmem:v37+s19+$0x0], $0xffff  }
0x143: {  	v46 =	vor.u32 v17, v31;
	v48 =	vand.u32 $0x7FFFFFFF, v29;
	v41 =	vsub.f32 v43, v41;
	v33 =	vld.idx.msk [tilespmem:v33+s19+$0x0], $0xffff  }
0x144: {  	v32 =	vadd.f32 v32, v47;
	v40 =	vsub.f32 v40, v49;
	v29 =	vld.idx.msk [tilespmem:v57+s19+$0x0], $0xffff;
	v57 =	vor.u32 v21, v31  }
0x145: {  	v58 =	vor.u32 v22, v31;
	v31 =	vsub.f32 v41, v38;
	v38 =	vmax.f32 v44, $0.0e+00;
	v49 =	vld.idx.msk [tilespmem:v50+s19+$0x0], $0xffff  }
0x146: {  	v32 =	vsub.f32 v32, v48;
	v40 =	vmax.f32 v40, $0.0e+00;
	v36 =	vadd.f32 v42, v36;
	v45 =	vld.idx.msk [tilespmem:v45+s19+$0x0], $0xffff  }
0x147: {  	v42 =	vmul.f32 v40, v40;
	v38 =	vmul.f32 v38, v38;
	v31 =	vmax.f32 v31, $0.0e+00;
	v43 =	vld.idx.msk [tilespmem:v51+s19+$0x0], $0xffff  }
0x148: {  	v47 =	vsub.f32 v39, v35;
	v35 =	vmax.f32 v32, $0.0e+00;
	v59 =	vmul.f32 v31, v31;
	v41 =	vld.idx.msk [tilespmem:v53+s19+$0x0], $0xffff  }
0x149: {  	v31 =	vadd.s32 s20, v0;
	v28 =	vadd.f32 v38, v28;
	v48 =	vsub.f32 v36, v33;
	v40 =	vld.idx.msk [tilespmem:v34+s19+$0x0], $0xffff  }
0x14a: {  	v30 =	vadd.f32 v42, v30;
	v32 =	vand.u32 $0x7FFFFFFF, v37;
	v31 =	vand.u32 $0x7F, v31;
	v44 =	vld.idx.msk [tilespmem:v46+s19+$0x0], $0xffff  }
.Ltmp1:
0x14b: {  	v33 =	vmul.f32 v35, v35;
	v36 =	vor.u32 v4, v31;
	v42 =	vor.u32 v11, v31;
	v51 =	vld.idx.msk [tilespmem:v55+s19+$0x0], $0xffff;
	(pc) =	sbr.rel @p0 .LBB2_4-.Ltmp1, $4  }
0x14c: {  	v39 =	vor.u32 v8, v31;
	v35 =	vor.u32 v15, v31;
	v38 =	vld.idx.msk [tilespmem:v52+s19+$0x0], $0xffff;
	v52 =	vsub.f32 v54, v49  }
0x14d: {  	v34 =	vor.u32 v20, v31;
	v27 =	vadd.f32 v33, v27;
	v54 =	vor.u32 v13, v31;
	v46 =	vld.idx.msk [tilespmem:v57+s19+$0x0], $0xffff  }
0x14e: {  	v50 =	vor.u32 v16, v31;
	v33 =	vor.u32 v5, v31;
	v53 =	vadd.f32 v56, v45;
	v49 =	vld.idx.msk [tilespmem:v58+s19+$0x0], $0xffff  }
0x14f: {  	v37 =	vor.u32 v6, v31;
	v45 =	vor.u32 v18, v31;
	v27 =	vadd.f32 v59, v27  }
0x150: {  	_ =	sdelay $0x3  }
0x151: {  	v54 =	vld.idx.msk [tilespmem:v54+s19+$0x0], $0xffff  }
0x152: {  	v55 =	vor.u32 v19, v31;
	v63 =	vld.idx.msk [tilespmem:v50+s19+$0x0], $0xffff  }
0x153: {  	v56 =	vor.u32 v14, v31;
	v57 =	vor.u32 v17, v31;
	v45 =	vld.idx.msk [tilespmem:v45+s19+$0x0], $0xffff  }
0x154: {  	v43 =	vsub.f32 v47, v43;
	v48 =	vand.u32 $0x7FFFFFFF, v48;
	v58 =	vand.u32 $0x7FFFFFFF, v51;
	v34 =	vld.idx.msk [tilespmem:v34+s19+$0x0], $0xffff  }
0x155: {  	v59 =	vand.u32 $0x7FFFFFFF, v52;
	v41 =	vand.u32 $0x7FFFFFFF, v41;
	v60 =	vor.u32 v21, v31;
	v42 =	vld.idx.msk [tilespmem:v42+s13+$0x0], $0xffff  }
0x156: {  	v44 =	vand.u32 $0x7FFFFFFF, v44;
	v40 =	vsub.f32 v53, v40;
	v53 =	vor.u32 v7, v31;
	v36 =	vld.idx.msk [tilespmem:v36+s19+$0x0], $0xffff  }
0x157: {  	v62 =	vor.u32 v22, v31;
	v29 =	vand.u32 $0x7FFFFFFF, v29;
	v50 =	vsub.f32 v59, v58;
	v52 =	vld.idx.msk [tilespmem:v55+s13+$0x0], $0xffff  }
0x158: {  	v51 =	vmax.f32 v25, $1.000000000e-30;
	v32 =	vadd.f32 v32, v48;
	v43 =	vand.u32 $0x7FFFFFFF, v43;
	v61 =	vld.idx.msk [tilespmem:v56+s19+$0x0], $0xffff  }
0x159: {  	v39 =	vld.idx.msk [tilespmem:v39+s19+$0x0], $0xffff;
	v46 =	vand.u32 $0x7FFFFFFF, v46;
	v40 =	vand.u32 $0x7FFFFFFF, v40;
	v44 =	vsub.f32 v50, v44  }
0x15a: {  	v38 =	vand.u32 $0x7FFFFFFF, v38;
	v40 =	vsub.f32 v40, v46;
	v41 =	vsub.f32 v43, v41;
	v57 =	vld.idx.msk [tilespmem:v57+s19+$0x0], $0xffff  }
0x15b: {  	v49 =	vand.u32 $0x7FFFFFFF, v49;
	v29 =	vsub.f32 v32, v29;
	v47 =	vsub.f32 v54, v63;
	v63 =	vld.idx.msk [tilespmem:v60+s19+$0x0], $0xffff  }
0x15c: {  	v35 =	vld.idx.msk [tilespmem:v35+s13+$0x0], $0xffff;
	v56 =	vor.u32 v10, v31;
	v54 =	vor.u32 v9, v31;
	v45 =	vadd.f32 v52, v45  }
0x15d: {  	v58 =	vld.idx.msk [tilespmem:v62+s19+$0x0], $0xffff;
	v40 =	vsub.f32 v40, v49;
	v47 =	vand.u32 $0x7FFFFFFF, v47;
	v55 =	vand.u32 $0x7FFFFFFF, v61  }
0x15e: {  	v44 =	vmax.f32 v44, $0.0e+00;
	v47 =	vsub.f32 v47, v55;
	v34 =	vsub.f32 v45, v34  }
0x15f: {  	v38 =	vsub.f32 v41, v38;
	v36 =	vadd.f32 v42, v36;
	v59 =	vand.u32 $0x7FFFFFFF, v57  }
0x160: {  	v46 =	vand.u32 $0x7FFFFFFF, v63;
	v60 =	vsub.f32 v47, v59;
	v34 =	vand.u32 $0x7FFFFFFF, v34  }
0x161: {  	v37 =	vld.idx.msk [tilespmem:v37+s19+$0x0], $0xffff;
	v35 =	vsub.f32 v39, v35;
	v44 =	vmul.f32 v44, v44;
	v34 =	vsub.f32 v34, v46  }
0x162: {  	v33 =	vld.idx.msk [tilespmem:v33+s19+$0x0], $0xffff;
	v40 =	vmax.f32 v40, $0.0e+00;
	v62 =	vand.u32 $0x7FFFFFFF, v58;
	v45 =	vmax.f32 v60, $0.0e+00  }
0x163: {  	v28 =	vadd.f32 v44, v28;
	v61 =	vmul.f32 v45, v45;
	v34 =	vsub.f32 v34, v62  }
0x164: {  	v29 =	vmax.f32 v29, $0.0e+00;
	v41 =	vmul.f32 $5.000000000e-01, v51;
	v40 =	vmul.f32 v40, v40  }
0x165: {  	v29 =	vmul.f32 v29, v29;
	v28 =	vadd.f32 v61, v28;
	v45 =	vmax.f32 v34, $0.0e+00  }
0x166: {  	v38 =	vmax.f32 v38, $0.0e+00;
	v30 =	vadd.f32 v40, v30;
	v32 =	vmul.f32 v45, v45  }
0x167: {  	v33 =	vsub.f32 v36, v33;
	v36 =	vand.u32 $0x7FFFFFFF, v37;
	v46 =	vmax.f32 v28, $1.000000000e-30  }
0x168: {  	v47 =	vshra.s32 v46, $0x1;
	v34 =	vmul.f32 $5.000000000e-01, v46;
	v30 =	vadd.f32 v32, v30  }
0x169: {  	v38 =	vmul.f32 v38, v38;
	v63 =	vor.u32 v12, v31;
	v39 =	vsub.s32 $0x5F3759DF, v47  }
0x16a: {  	v57 =	vmax.f32 v24, $1.000000000e-30;
	v48 =	vmul.f32 v39, v34;
	v49 =	vmax.f32 v30, $1.000000000e-30  }
0x16b: {  	v55 =	vshra.s32 v51, $0x1;
	v50 =	vshra.s32 v49, $0x1;
	v37 =	vmul.f32 $5.000000000e-01, v49  }
0x16c: {  	v43 =	vsub.s32 $0x5F3759DF, v55;
	v32 =	vmul.f32 v39, v48;
	v40 =	vsub.s32 $0x5F3759DF, v50  }
0x16d: {  	v52 =	vld.idx.msk [tilespmem:v56+s19+$0x0], $0xffff;
	v60 =	vshra.s32 v57, $0x1;
	v45 =	vmul.f32 $5.000000000e-01, v57;
	v56 =	vmul.f32 v40, v37  }
0x16e: {  	v59 =	vmul.f32 v43, v41;
	v48 =	vsub.s32 $0x5F3759DF, v60;
	v32 =	vsub.f32 $1.500000000e+00, v32  }
0x16f: {  	v62 =	vmul.f32 v48, v45;
	v44 =	vmul.f32 v40, v56  }
0x170: {  	v58 =	vld.idx.msk [tilespmem:v54+s19+$0x0], $0xffff;
	v61 =	vmul.f32 v43, v59;
	v32 =	vmul.f32 v39, v32  }
0x171: {  	v27 =	vadd.f32 v29, v27;
	v31 =	vld.idx.msk [tilespmem:v63+s19+$0x0], $0xffff;
	v51 =	vmul.f32 v48, v62;
	v50 =	vsub.f32 $1.500000000e+00, v44  }
0x172: {  	v33 =	vand.u32 $0x7FFFFFFF, v33;
	v63 =	vld.idx.msk [tilespmem:v53+s19+$0x0], $0xffff;
	v29 =	vsub.f32 $1.500000000e+00, v61;
	v53 =	vmul.f32 v32, v34  }
0x173: {  	v33 =	vadd.f32 v36, v33;
	v54 =	vsub.f32 $1.500000000e+00, v51;
	v39 =	vmul.f32 v40, v50  }
0x174: {  	v27 =	vadd.f32 v38, v27;
	v29 =	vmul.f32 v43, v29;
	v55 =	vmul.f32 v53, v32  }
0x175: {  	v35 =	vsub.f32 v35, v52;
	v40 =	vmul.f32 v48, v54;
	v56 =	vmul.f32 v39, v37  }
0x176: {  	v52 =	vand.u32 $0x7FFFFFFF, v58;
	v58 =	vmul.f32 v29, v41;
	v59 =	vsub.f32 $1.500000000e+00, v55  }
0x177: {  	v35 =	vand.u32 $0x7FFFFFFF, v35;
	v62 =	vmul.f32 v40, v45;
	v60 =	vmul.f32 v56, v39  }
0x178: {  	v35 =	vsub.f32 v35, v52;
	v61 =	vmul.f32 v58, v29;
	v32 =	vmul.f32 v59, v32  }
0x179: {  	v57 =	vand.u32 $0x7FFFFFFF, v63;
	v47 =	vmul.f32 v62, v40;
	v63 =	vsub.f32 $1.500000000e+00, v60  }
0x17a: {  	v31 =	vand.u32 $0x7FFFFFFF, v31;
	v46 =	vsub.f32 $1.500000000e+00, v61;
	v34 =	vmul.f32 v32, v34  }
0x17b: {  	v33 =	vsub.f32 v33, v57;
	v48 =	vsub.f32 $1.500000000e+00, v47;
	v36 =	vmul.f32 v63, v39  }
0x17c: {  	v31 =	vsub.f32 v35, v31;
	v29 =	vmul.f32 v46, v29;
	v34 =	vmul.f32 v34, v32  }
0x17d: {  	v33 =	vmax.f32 v33, $0.0e+00;
	v35 =	vmul.f32 v48, v40;
	v37 =	vmul.f32 v36, v37  }
0x17e: {  	v31 =	vmax.f32 v31, $0.0e+00;
	v33 =	vmul.f32 v33, v33;
	v49 =	vmul.f32 v29, v41  }
0x17f: {  	v34 =	vsub.f32 $1.500000000e+00, v34;
	v52 =	vmul.f32 v35, v45;
	v50 =	vmul.f32 v37, v36  }
0x180: {  	v31 =	vmul.f32 v31, v31;
	v27 =	vadd.f32 v33, v27;
	v51 =	vmul.f32 v49, v29  }
0x181: {  	v32 =	vmul.f32 v34, v32;
	v55 =	vmul.f32 v52, v35;
	v53 =	vsub.f32 $1.500000000e+00, v50  }
0x182: {  	v27 =	vadd.f32 v31, v27;
	v54 =	vsub.f32 $1.500000000e+00, v51  }
0x183: {  	v28 =	vmul.f32 v32, v28;
	v57 =	vsub.f32 $1.500000000e+00, v55;
	v56 =	vmul.f32 v53, v36  }
0x184: {  	[tilespmem:$0xE980] =	vst v25;
	v26 =	vadd.f32 v27, v26;
	v29 =	vmul.f32 v54, v29  }
0x185: {  	[tilespmem:$0xEA80] =	vst v24;
	v28 =	vsub.f32 $2.000000000e+00, v28;
	v59 =	vmul.f32 v57, v35;
	v27 =	vmul.f32 v56, v30  }
0x186: {  	[tilespmem:$0xEC80] =	vst v23;
	v58 =	vmul.f32 v29, v25  }
0x187: {  	[tilespmem:$0xE900] =	vst v26;
	v60 =	vmax.f32 v28, $0.0e+00;
	v61 =	vmul.f32 v59, v24;
	v27 =	vsub.f32 $2.000000000e+00, v27  }
0x188: {  	[tilespmem:$0xEA00] =	vst v58;
	v62 =	vmul.f32 v60, v60  }
0x189: {  	s17 =	sadd.s32 $0x1, s17;
	[tilespmem:$0xEB00] =	vst v61;
	v63 =	vmul.f32 v27, v27  }
0x18a: {  	p0 =	sne.s32 s17, s7;
	[tilespmem:$0xEB80] =	vst v62  }
.Ltmp2:
0x18b: {  	[tilespmem:$0xEC00] =	vst v63;
	(pc) =	sbr.rel @p0 .LBB2_1-.Ltmp2, $4  }
0x18c: {  	[hbm4b:s6+s4] =	stream.linear.scatter [tilespmem:s16], [sflag:$0x3], $0x400, $0x38;
	[tilespmem:$0xED00] =	vst v63  }
0x18d: {  	_ =	swait.ge [sflag:s8], $0x400  }
0x18e: {  	[sflag:s8] =	ssyncset.done $0x0  }
0x18f: {  	[sflag:s8] =	ssyncadd.s32 $0xFFFFFC00  }
0x190: {  	_ =	sfence.sel $0x180000  }
0x191: {  	[bflag:$0x0] =	sbarrier.arrive $0xFFFF  }
0x192: {  	_ =	strace $0x90000047  }
0x193: {  	s0 =	stileid.u32;
	[bflag:$0x2] =	sbarrier.arrive $0xFFFF  }
0x194: {  	p0 =	sne.s32 s0, $0x0;
	s0 =	rddreg [dreg:$0x4]  }
0x195: {  	s0 =	sadd.s32 @!p0 $0x100000, s0  }
0x196: {  	[sflag:s0] =	ssyncadd.tile.s32 @!p0 $0x1;
	_ =	shalt  }
.Lfunc_end2:
_tile_overlayer_lowered:
.L_overlay_start_2:
0x197: {  	(tag) =	ssettag $0x2  }
0x198: {  	s0 =	rddreg [dreg:$0x0];
	s2 =	stileid.u32  }
0x199: {  	s1 =	rddreg [dreg:$0x1];
	p0 =	sne.s32 s2, $0x0  }
0x19a: {  	s3 =	rddreg [dreg:$0x2];
	[bflag:$0x3] =	sbarrier.arrive $0xFFFF;
	s2 =	simm.s32 @!p0 $0x1C03  }
0x19b: {  	[timem:s3], [sflag:s2] =	dma.local @!p0 [hbm:s0], s1  }
0x19c: {  	s0 =	simm.s32 @!p0 $0x3  }
0x19d: {  	_ =	swait.ge @!p0 [sflag:s0], s1  }
0x19e: {  	s1 =	ssub.s32 @!p0 $0x0, s1;
	[sflag:s0] =	ssyncset.done @!p0 $0x0  }
0x19f: {  	[sflag:s0] =	ssyncadd.s32 @!p0 s1  }
0x1a0: {  	[bflag:$0x3] =	sbarrier.arrive $0xFFFF  }
0x1a1: {  	_ =	shalt  }

</sc_bundles>
